<compile_context>
chip_gen: v7x
topology: tpu7x:2x2x1
jax: 0.10.2.dev20260603
libtpu: 0.0.44.dev20260713+nightly
codegen_flags: <defaults>
</compile_context>

<pallas_src>
import functools

import jax
import jax.numpy as jnp
from jax import lax
from jax.experimental import pallas as pl
from jax.experimental.pallas import tpu as pltpu
from jax.experimental.pallas import tpu_sc as plsc

EMBED = 128
TIME_D = 32
TIME_V = 24
_ROWS_PER_BLOCK = 10000
_TIME_BLOCK = 2048


def _transform_body(x_ref, w_ref, b_ref, o_ref):
    o_ref[...] = lax.dot_general(
        x_ref[...], w_ref[...],
        dimension_numbers=(((1,), (1,)), ((), ())),
        preferred_element_type=jnp.float32,
    ) + b_ref[...]


def _transform_table(table, W, b):
    n = table.shape[0]
    grid = n // _ROWS_PER_BLOCK
    return pl.pallas_call(
        _transform_body,
        grid=(grid,),
        in_specs=[
            pl.BlockSpec((_ROWS_PER_BLOCK, EMBED), lambda i: (i, 0)),
            pl.BlockSpec((EMBED, EMBED), lambda i: (0, 0)),
            pl.BlockSpec((1, EMBED), lambda i: (0, 0)),
        ],
        out_specs=pl.BlockSpec((_ROWS_PER_BLOCK, EMBED), lambda i: (i, 0)),
        out_shape=jax.ShapeDtypeStruct((n, EMBED), jnp.float32),
    )(table, W, b.reshape(1, EMBED))


def _time_body(idx_ref, tab_ref, o_ref):
    bsz = idx_ref.shape[-1]
    idx = idx_ref[0]
    iot = lax.broadcasted_iota(jnp.int32, (TIME_V, bsz), 0)
    onehot = (jnp.broadcast_to(idx, (TIME_V, bsz)) == iot).astype(jnp.float32)
    o_ref[0] = lax.dot_general(
        tab_ref[...], onehot,
        dimension_numbers=(((0,), (0,)), ((), ())),
        preferred_element_type=jnp.float32,
    )


def _time_lookup(time_idx_t, time_table):
    hist, bsz = time_idx_t.shape
    return pl.pallas_call(
        _time_body,
        grid=(hist,),
        in_specs=[
            pl.BlockSpec((1, 1, bsz), lambda i: (i, 0, 0)),
            pl.BlockSpec((TIME_V, TIME_D), lambda i: (0, 0)),
        ],
        out_specs=pl.BlockSpec((1, TIME_D, bsz), lambda i: (i, 0, 0)),
        out_shape=jax.ShapeDtypeStruct((hist, TIME_D, bsz), jnp.float32),
    )(time_idx_t.reshape(hist, 1, bsz), time_table)


@functools.lru_cache(maxsize=None)
def _make_sc_gather(B):
    info = plsc.get_sparse_core_info()
    NC, NS = info.num_cores, info.num_subcores
    NW = NC * NS
    rows_per_w = B // NW
    CH = 128
    GPC = 1
    n_ch = rows_per_w // CH
    NBUF = 5
    n_grp = n_ch // (NBUF * GPC)
    mesh = plsc.VectorSubcoreMesh(core_axis_name="c", subcore_axis_name="s")

    @functools.partial(
        pl.kernel,
        mesh=mesh,
        out_type=jax.ShapeDtypeStruct((B, EMBED), jnp.float32),
        scratch_types=[
            pltpu.VMEM((n_ch, CH), jnp.int32),
            pltpu.VMEM((NBUF, GPC * CH, EMBED), jnp.float32),
            pltpu.SemaphoreType.DMA,
            pltpu.SemaphoreType.DMA,
        ],
        compiler_params=pltpu.CompilerParams(use_tc_tiling_on_sc=True),
    )
    def sc_gather(ptab_hbm, pidx_hbm, pout_hbm, pidx_v, prow_v, psem, osem):
        wid = lax.axis_index("s") * NC + lax.axis_index("c")
        pltpu.sync_copy(pidx_hbm.at[wid], pidx_v)

        def _drain_one_writeback(k):
            pltpu.make_async_copy(
                prow_v.at[k], pout_hbm.at[pl.ds(0, GPC * CH)], osem).wait()

        def body(g, carry):
            j0 = g * NBUF * GPC
            cps = []
            for k in range(NBUF):
                @pl.when(j0 + k * GPC >= NBUF * GPC)
                def _(k=k):
                    _drain_one_writeback(k)
                for q in range(GPC):
                    cps.append(pltpu.async_copy(
                        ptab_hbm.at[pidx_v.at[j0 + k * GPC + q]],
                        prow_v.at[k, pl.ds(q * CH, CH)], psem))
            for k in range(NBUF):
                for q in range(GPC):
                    cps[k * GPC + q].wait()
                out0 = wid * rows_per_w + (j0 + k * GPC) * CH
                pltpu.async_copy(
                    prow_v.at[k], pout_hbm.at[pl.ds(out0, GPC * CH)], osem)
            return carry

        lax.fori_loop(0, n_grp, body, 0)
        for k in range(NBUF):
            _drain_one_writeback(k)

    return sc_gather


def kernel(poi_input, time_input, poi_table, time_table, W, b):
    bsz, hist = poi_input.shape
    B = bsz * hist
    t_table = _transform_table(poi_table, W, b)
    time_out = _time_lookup(time_input.T, time_table)
    info = plsc.get_sparse_core_info()
    nw = info.num_cores * info.num_subcores
    pidx = poi_input.T.reshape(nw, B // (nw * 128), 128)
    poi_out = _make_sc_gather(B)(t_table, pidx)
    return (poi_out.reshape(hist, bsz, EMBED).transpose(1, 0, 2),
            time_out.transpose(2, 0, 1))

# --- scband reference (transcript-rebuilt; emitter-appended) ---
"""Pipeline reference for scband-my-model-59631325938217 (READ-ONLY COPY).

The authoritative reference and input builder live on the scoring server;
editing this copy changes nothing except your own understanding.
"""

import jax, jax.numpy as jnp
import numpy as np

VOCAB = 100000
EMBED = 128
BATCH = 4096
HIST = 50

def setup_inputs(seed: int = 0) -> dict:
    key = jax.random.key(seed)
    k1, k2, k3, k4, k5, k6 = jax.random.split(key, 6)
    poi_input = jax.random.randint(k1, (BATCH, HIST), 0, VOCAB, dtype=jnp.int32)
    time_input = jax.random.randint(k2, (BATCH, HIST), 0, 24, dtype=jnp.int32)
    poi_table = jax.random.normal(k3, (VOCAB, EMBED), dtype=jnp.float32)
    time_table = jax.random.normal(k4, (24, 32), dtype=jnp.float32)
    W = jax.random.normal(k5, (EMBED, EMBED), dtype=jnp.float32) * 0.05
    b = jnp.zeros((EMBED,), dtype=jnp.float32)
    return {"poi_input": poi_input, "time_input": time_input,
            "poi_table": poi_table, "time_table": time_table,
            "W": W, "b": b}

def reference(poi_input, time_input, poi_table, time_table, W, b):
    # poi_embedded = self.poi_embedding(poi_input)
    poi_embedded = jnp.take(poi_table, poi_input, axis=0)
    # poi_transformed = self.linear1(poi_embedded)  (torch Linear: x @ W.T + b)
    poi_transformed = jnp.einsum('bld,ed->ble', poi_embedded, W) + b
    # time_embedded = self.time_embedding(time_input)
    time_embedded = jnp.take(time_table, time_input, axis=0)
    return (poi_transformed, time_embedded)

if __name__ == "__main__":
    import jax
    _d = setup_inputs()
    print(jax.jit(kernel)(*tuple(_d.values())))

</pallas_src>

<mosaic_0001>
#map = affine_map<(d0, d1) -> (0, 0)>
#map1 = affine_map<(d0, d1) -> (0, 0, 0)>
module attributes {stable_mosaic.version = 14 : i64} {
  func.func @sc_gather(%arg0: i32, %arg1: i32, %arg2: memref<100000x128xf32, #tpu.memory_space<hbm>>, %arg3: memref<32x50x128xi32, #tpu.memory_space<hbm>>, %arg4: memref<204800x128xf32, #tpu.memory_space<hbm>>, %arg5: memref<50x128xi32, #tpu.memory_space<vmem>>, %arg6: memref<5x128x128xf32, #tpu.memory_space<vmem>>, %arg7: memref<!tpu.dma_semaphore, #tpu.memory_space<semaphore_mem>>, %arg8: memref<!tpu.dma_semaphore, #tpu.memory_space<semaphore_mem>>) attributes {dimension_semantics = [#tpu.dimension_semantics<core_parallel>, #tpu.dimension_semantics<subcore_parallel>], iteration_bounds = array<i64: 2, 16>, scalar_prefetch = 0 : i64, scratch_operands = 4 : i64, tpu.core_type = #tpu.core_type<sc_vector_subcore>, window_params = [{transform_indices = #map}, {transform_indices = #map1}, {transform_indices = #map}]} {
    %mul3A = arith.constant 2 : i32
    %mul3A_0 = arith.muli %arg1, %mul3A : i32
    %add3A = arith.addi %mul3A_0, %arg0 : i32
    "tpu.region"() ({
      %run_scoped3A = tpu.sem_alloc : memref<!tpu.dma_semaphore, #tpu.memory_space<semaphore_mem>>
      %dma_start3A = arith.constant 0 : i32
      %dma_start3A_80 = arith.constant 0 : i32
      %dma_start3A_81 = tpu.memref_slice %arg3[%add3A, %dma_start3A, %dma_start3A_80] : memref<32x50x128xi32, #tpu.memory_space<hbm>> -> memref<1x50x128xi32, #tpu.memory_space<hbm>>
      %dma_start3A_82 = tpu.memref_squeeze %dma_start3A_81 : memref<1x50x128xi32, #tpu.memory_space<hbm>> -> memref<50x128xi32, #tpu.memory_space<hbm>>
      %dma_start3A_83 = arith.constant 0 : i32
      %dma_start3A_84 = arith.constant 0 : i32
      %dma_start3A_85 = tpu.memref_slice %arg3[%add3A, %dma_start3A_83, %dma_start3A_84] : memref<32x50x128xi32, #tpu.memory_space<hbm>> -> memref<1x50x128xi32, #tpu.memory_space<hbm>>
      %dma_start3A_86 = tpu.memref_squeeze %dma_start3A_85 : memref<1x50x128xi32, #tpu.memory_space<hbm>> -> memref<50x128xi32, #tpu.memory_space<hbm>>
      tpu.enqueue_dma source(%dma_start3A_86 : memref<50x128xi32, #tpu.memory_space<hbm>>) target(%arg5 : memref<50x128xi32, #tpu.memory_space<vmem>>) target_semaphore(%run_scoped3A : memref<!tpu.dma_semaphore, #tpu.memory_space<semaphore_mem>>)
      %dma_wait3A_87 = arith.constant 0 : i32
      %dma_wait3A_88 = arith.constant 0 : i32
      %dma_wait3A_89 = tpu.memref_slice %arg3[%add3A, %dma_wait3A_87, %dma_wait3A_88] : memref<32x50x128xi32, #tpu.memory_space<hbm>> -> memref<1x50x128xi32, #tpu.memory_space<hbm>>
      %dma_wait3A_90 = tpu.memref_squeeze %dma_wait3A_89 : memref<1x50x128xi32, #tpu.memory_space<hbm>> -> memref<50x128xi32, #tpu.memory_space<hbm>>
      %dma_wait3A_91 = arith.constant 0 : i32
      %dma_wait3A_92 = arith.constant 0 : i32
      %dma_wait3A_93 = tpu.memref_slice %arg3[%add3A, %dma_wait3A_91, %dma_wait3A_92] : memref<32x50x128xi32, #tpu.memory_space<hbm>> -> memref<1x50x128xi32, #tpu.memory_space<hbm>>
      %dma_wait3A_94 = tpu.memref_squeeze %dma_wait3A_93 : memref<1x50x128xi32, #tpu.memory_space<hbm>> -> memref<50x128xi32, #tpu.memory_space<hbm>>
      tpu.wait_dma2 semaphore(%run_scoped3A : memref<!tpu.dma_semaphore, #tpu.memory_space<semaphore_mem>>) src(%dma_wait3A_94 : memref<50x128xi32, #tpu.memory_space<hbm>>) dst(%arg5 : memref<50x128xi32, #tpu.memory_space<vmem>>)
      tpu.yield
    }) : () -> ()
    %scan3A = arith.constant 0 : i32
    %scan3A_1 = arith.constant 0 : i32
    %scan3A_2 = arith.constant 10 : i32
    %scan3A_3 = arith.addi %scan3A_1, %scan3A_2 : i32
    %scan3A_4 = arith.constant 1 : i32
    scf.for %scan3A_80 = %scan3A_1 to %scan3A_3 step %scan3A_4  : i32 {
      %mul3A_81 = arith.constant 5 : i32
      %mul3A_82 = arith.muli %scan3A_80, %mul3A_81 : i32
      %mul3A_83 = arith.constant 1 : i32
      %mul3A_84 = arith.muli %mul3A_82, %mul3A_83 : i32
      %add3A_85 = arith.constant 0 : i32
      %add3A_86 = arith.addi %mul3A_84, %add3A_85 : i32
      %ge3A = arith.constant 5 : i32
      %ge3A_87 = arith.cmpi sge, %add3A_86, %ge3A : i32
      %convert_element_type3A = arith.extui %ge3A_87 : i1 to i32
      %cond3A = arith.constant 0 : i32
      %cond3A_88 = arith.cmpi ne, %convert_element_type3A, %cond3A : i32
      scf.if %cond3A_88 {
        %dma_wait3A_346 = arith.constant 0 : i32
        %dma_wait3A_347 = arith.constant 0 : i32
        %dma_wait3A_348 = arith.constant 0 : i32
        %dma_wait3A_349 = tpu.memref_slice %arg6[%dma_wait3A_346, %dma_wait3A_347, %dma_wait3A_348] : memref<5x128x128xf32, #tpu.memory_space<vmem>> -> memref<1x128x128xf32, #tpu.memory_space<vmem>>
        %dma_wait3A_350 = tpu.memref_squeeze %dma_wait3A_349 : memref<1x128x128xf32, #tpu.memory_space<vmem>> -> memref<128x128xf32, #tpu.memory_space<vmem>>
        %dma_wait3A_351 = arith.constant 0 : i32
        %dma_wait3A_352 = arith.constant 0 : i32
        %dma_wait3A_353 = tpu.memref_slice %arg4[%dma_wait3A_351, %dma_wait3A_352] : memref<204800x128xf32, #tpu.memory_space<hbm>> -> memref<128x128xf32, #tpu.memory_space<hbm>>
        %dma_wait3A_354 = arith.constant 0 : i32
        %dma_wait3A_355 = arith.constant 0 : i32
        %dma_wait3A_356 = tpu.memref_slice %arg4[%dma_wait3A_354, %dma_wait3A_355] : memref<204800x128xf32, #tpu.memory_space<hbm>> -> memref<128x128xf32, #tpu.memory_space<hbm>>
        %dma_wait3A_357 = arith.constant 0 : i32
        %dma_wait3A_358 = arith.constant 0 : i32
        %dma_wait3A_359 = tpu.memref_slice %arg6[%dma_wait3A_346, %dma_wait3A_357, %dma_wait3A_358] : memref<5x128x128xf32, #tpu.memory_space<vmem>> -> memref<1x128x128xf32, #tpu.memory_space<vmem>>
        %dma_wait3A_360 = tpu.memref_squeeze %dma_wait3A_359 : memref<1x128x128xf32, #tpu.memory_space<vmem>> -> memref<128x128xf32, #tpu.memory_space<vmem>>
        tpu.wait_dma2 semaphore(%arg8 : memref<!tpu.dma_semaphore, #tpu.memory_space<semaphore_mem>>) src(%dma_wait3A_360 : memref<128x128xf32, #tpu.memory_space<vmem>>) dst(%dma_wait3A_356 : memref<128x128xf32, #tpu.memory_space<hbm>>)
      } else {
      }
      %add3A_89 = arith.constant 0 : i32
      %add3A_90 = arith.addi %mul3A_84, %add3A_89 : i32
      %add3A_91 = arith.constant 0 : i32
      %add3A_92 = arith.addi %add3A_90, %add3A_91 : i32
      %dma_start3A = arith.constant 0 : i32
      %dma_start3A_93 = arith.constant 0 : i32
      %dma_start3A_94 = arith.constant 0 : i32
      %dma_start3A_95 = tpu.memref_slice %arg6[%dma_start3A, %dma_start3A_93, %dma_start3A_94] : memref<5x128x128xf32, #tpu.memory_space<vmem>> -> memref<1x128x128xf32, #tpu.memory_space<vmem>>
      %dma_start3A_96 = tpu.memref_squeeze %dma_start3A_95 : memref<1x128x128xf32, #tpu.memory_space<vmem>> -> memref<128x128xf32, #tpu.memory_space<vmem>>
      %dma_start3A_97 = arith.constant 0 : i32
      %dma_start3A_98 = tpu.memref_slice %arg5[%add3A_92, %dma_start3A_97] : memref<50x128xi32, #tpu.memory_space<vmem>> -> memref<1x128xi32, #tpu.memory_space<vmem>>
      %dma_start3A_99 = tpu.memref_squeeze %dma_start3A_98 : memref<1x128xi32, #tpu.memory_space<vmem>> -> memref<128xi32, #tpu.memory_space<vmem>>
      %dma_start3A_100 = arith.constant 0 : i32
      %dma_start3A_101 = arith.constant 0 : i32
      %dma_start3A_102 = tpu.memref_slice %arg2[%dma_start3A_100, %dma_start3A_101] : memref<100000x128xf32, #tpu.memory_space<hbm>> -> memref<100000x128xf32, #tpu.memory_space<hbm>>
      tpu.enqueue_indirect_dma source(%dma_start3A_102 : memref<100000x128xf32, #tpu.memory_space<hbm>>) target(%dma_start3A_96 : memref<128x128xf32, #tpu.memory_space<vmem>>) offsets(%dma_start3A_99 : memref<128xi32, #tpu.memory_space<vmem>>) semaphore(%arg7 : memref<!tpu.dma_semaphore, #tpu.memory_space<semaphore_mem>>)
      %add3A_103 = arith.constant 1 : i32
      %add3A_104 = arith.addi %mul3A_84, %add3A_103 : i32
      %ge3A_105 = arith.constant 5 : i32
      %ge3A_106 = arith.cmpi sge, %add3A_104, %ge3A_105 : i32
      %convert_element_type3A_107 = arith.extui %ge3A_106 : i1 to i32
      %cond3A_108 = arith.constant 0 : i32
      %cond3A_109 = arith.cmpi ne, %convert_element_type3A_107, %cond3A_108 : i32
      scf.if %cond3A_109 {
        %dma_wait3A_346 = arith.constant 1 : i32
        %dma_wait3A_347 = arith.constant 0 : i32
        %dma_wait3A_348 = arith.constant 0 : i32
        %dma_wait3A_349 = tpu.memref_slice %arg6[%dma_wait3A_346, %dma_wait3A_347, %dma_wait3A_348] : memref<5x128x128xf32, #tpu.memory_space<vmem>> -> memref<1x128x128xf32, #tpu.memory_space<vmem>>
        %dma_wait3A_350 = tpu.memref_squeeze %dma_wait3A_349 : memref<1x128x128xf32, #tpu.memory_space<vmem>> -> memref<128x128xf32, #tpu.memory_space<vmem>>
        %dma_wait3A_351 = arith.constant 0 : i32
        %dma_wait3A_352 = arith.constant 0 : i32
        %dma_wait3A_353 = tpu.memref_slice %arg4[%dma_wait3A_351, %dma_wait3A_352] : memref<204800x128xf32, #tpu.memory_space<hbm>> -> memref<128x128xf32, #tpu.memory_space<hbm>>
        %dma_wait3A_354 = arith.constant 0 : i32
        %dma_wait3A_355 = arith.constant 0 : i32
        %dma_wait3A_356 = tpu.memref_slice %arg4[%dma_wait3A_354, %dma_wait3A_355] : memref<204800x128xf32, #tpu.memory_space<hbm>> -> memref<128x128xf32, #tpu.memory_space<hbm>>
        %dma_wait3A_357 = arith.constant 0 : i32
        %dma_wait3A_358 = arith.constant 0 : i32
        %dma_wait3A_359 = tpu.memref_slice %arg6[%dma_wait3A_346, %dma_wait3A_357, %dma_wait3A_358] : memref<5x128x128xf32, #tpu.memory_space<vmem>> -> memref<1x128x128xf32, #tpu.memory_space<vmem>>
        %dma_wait3A_360 = tpu.memref_squeeze %dma_wait3A_359 : memref<1x128x128xf32, #tpu.memory_space<vmem>> -> memref<128x128xf32, #tpu.memory_space<vmem>>
        tpu.wait_dma2 semaphore(%arg8 : memref<!tpu.dma_semaphore, #tpu.memory_space<semaphore_mem>>) src(%dma_wait3A_360 : memref<128x128xf32, #tpu.memory_space<vmem>>) dst(%dma_wait3A_356 : memref<128x128xf32, #tpu.memory_space<hbm>>)
      } else {
      }
      %add3A_110 = arith.constant 1 : i32
      %add3A_111 = arith.addi %mul3A_84, %add3A_110 : i32
      %add3A_112 = arith.constant 0 : i32
      %add3A_113 = arith.addi %add3A_111, %add3A_112 : i32
      %dma_start3A_114 = arith.constant 1 : i32
      %dma_start3A_115 = arith.constant 0 : i32
      %dma_start3A_116 = arith.constant 0 : i32
      %dma_start3A_117 = tpu.memref_slice %arg6[%dma_start3A_114, %dma_start3A_115, %dma_start3A_116] : memref<5x128x128xf32, #tpu.memory_space<vmem>> -> memref<1x128x128xf32, #tpu.memory_space<vmem>>
      %dma_start3A_118 = tpu.memref_squeeze %dma_start3A_117 : memref<1x128x128xf32, #tpu.memory_space<vmem>> -> memref<128x128xf32, #tpu.memory_space<vmem>>
      %dma_start3A_119 = arith.constant 0 : i32
      %dma_start3A_120 = tpu.memref_slice %arg5[%add3A_113, %dma_start3A_119] : memref<50x128xi32, #tpu.memory_space<vmem>> -> memref<1x128xi32, #tpu.memory_space<vmem>>
      %dma_start3A_121 = tpu.memref_squeeze %dma_start3A_120 : memref<1x128xi32, #tpu.memory_space<vmem>> -> memref<128xi32, #tpu.memory_space<vmem>>
      %dma_start3A_122 = arith.constant 0 : i32
      %dma_start3A_123 = arith.constant 0 : i32
      %dma_start3A_124 = tpu.memref_slice %arg2[%dma_start3A_122, %dma_start3A_123] : memref<100000x128xf32, #tpu.memory_space<hbm>> -> memref<100000x128xf32, #tpu.memory_space<hbm>>
      tpu.enqueue_indirect_dma source(%dma_start3A_124 : memref<100000x128xf32, #tpu.memory_space<hbm>>) target(%dma_start3A_118 : memref<128x128xf32, #tpu.memory_space<vmem>>) offsets(%dma_start3A_121 : memref<128xi32, #tpu.memory_space<vmem>>) semaphore(%arg7 : memref<!tpu.dma_semaphore, #tpu.memory_space<semaphore_mem>>)
      %add3A_125 = arith.constant 2 : i32
      %add3A_126 = arith.addi %mul3A_84, %add3A_125 : i32
      %ge3A_127 = arith.constant 5 : i32
      %ge3A_128 = arith.cmpi sge, %add3A_126, %ge3A_127 : i32
      %convert_element_type3A_129 = arith.extui %ge3A_128 : i1 to i32
      %cond3A_130 = arith.constant 0 : i32
      %cond3A_131 = arith.cmpi ne, %convert_element_type3A_129, %cond3A_130 : i32
      scf.if %cond3A_131 {
        %dma_wait3A_346 = arith.constant 2 : i32
        %dma_wait3A_347 = arith.constant 0 : i32
        %dma_wait3A_348 = arith.constant 0 : i32
        %dma_wait3A_349 = tpu.memref_slice %arg6[%dma_wait3A_346, %dma_wait3A_347, %dma_wait3A_348] : memref<5x128x128xf32, #tpu.memory_space<vmem>> -> memref<1x128x128xf32, #tpu.memory_space<vmem>>
        %dma_wait3A_350 = tpu.memref_squeeze %dma_wait3A_349 : memref<1x128x128xf32, #tpu.memory_space<vmem>> -> memref<128x128xf32, #tpu.memory_space<vmem>>
        %dma_wait3A_351 = arith.constant 0 : i32
        %dma_wait3A_352 = arith.constant 0 : i32
        %dma_wait3A_353 = tpu.memref_slice %arg4[%dma_wait3A_351, %dma_wait3A_352] : memref<204800x128xf32, #tpu.memory_space<hbm>> -> memref<128x128xf32, #tpu.memory_space<hbm>>
        %dma_wait3A_354 = arith.constant 0 : i32
        %dma_wait3A_355 = arith.constant 0 : i32
        %dma_wait3A_356 = tpu.memref_slice %arg4[%dma_wait3A_354, %dma_wait3A_355] : memref<204800x128xf32, #tpu.memory_space<hbm>> -> memref<128x128xf32, #tpu.memory_space<hbm>>
        %dma_wait3A_357 = arith.constant 0 : i32
        %dma_wait3A_358 = arith.constant 0 : i32
        %dma_wait3A_359 = tpu.memref_slice %arg6[%dma_wait3A_346, %dma_wait3A_357, %dma_wait3A_358] : memref<5x128x128xf32, #tpu.memory_space<vmem>> -> memref<1x128x128xf32, #tpu.memory_space<vmem>>
        %dma_wait3A_360 = tpu.memref_squeeze %dma_wait3A_359 : memref<1x128x128xf32, #tpu.memory_space<vmem>> -> memref<128x128xf32, #tpu.memory_space<vmem>>
        tpu.wait_dma2 semaphore(%arg8 : memref<!tpu.dma_semaphore, #tpu.memory_space<semaphore_mem>>) src(%dma_wait3A_360 : memref<128x128xf32, #tpu.memory_space<vmem>>) dst(%dma_wait3A_356 : memref<128x128xf32, #tpu.memory_space<hbm>>)
      } else {
      }
      %add3A_132 = arith.constant 2 : i32
      %add3A_133 = arith.addi %mul3A_84, %add3A_132 : i32
      %add3A_134 = arith.constant 0 : i32
      %add3A_135 = arith.addi %add3A_133, %add3A_134 : i32
      %dma_start3A_136 = arith.constant 2 : i32
      %dma_start3A_137 = arith.constant 0 : i32
      %dma_start3A_138 = arith.constant 0 : i32
      %dma_start3A_139 = tpu.memref_slice %arg6[%dma_start3A_136, %dma_start3A_137, %dma_start3A_138] : memref<5x128x128xf32, #tpu.memory_space<vmem>> -> memref<1x128x128xf32, #tpu.memory_space<vmem>>
      %dma_start3A_140 = tpu.memref_squeeze %dma_start3A_139 : memref<1x128x128xf32, #tpu.memory_space<vmem>> -> memref<128x128xf32, #tpu.memory_space<vmem>>
      %dma_start3A_141 = arith.constant 0 : i32
      %dma_start3A_142 = tpu.memref_slice %arg5[%add3A_135, %dma_start3A_141] : memref<50x128xi32, #tpu.memory_space<vmem>> -> memref<1x128xi32, #tpu.memory_space<vmem>>
      %dma_start3A_143 = tpu.memref_squeeze %dma_start3A_142 : memref<1x128xi32, #tpu.memory_space<vmem>> -> memref<128xi32, #tpu.memory_space<vmem>>
      %dma_start3A_144 = arith.constant 0 : i32
      %dma_start3A_145 = arith.constant 0 : i32
      %dma_start3A_146 = tpu.memref_slice %arg2[%dma_start3A_144, %dma_start3A_145] : memref<100000x128xf32, #tpu.memory_space<hbm>> -> memref<100000x128xf32, #tpu.memory_space<hbm>>
      tpu.enqueue_indirect_dma source(%dma_start3A_146 : memref<100000x128xf32, #tpu.memory_space<hbm>>) target(%dma_start3A_140 : memref<128x128xf32, #tpu.memory_space<vmem>>) offsets(%dma_start3A_143 : memref<128xi32, #tpu.memory_space<vmem>>) semaphore(%arg7 : memref<!tpu.dma_semaphore, #tpu.memory_space<semaphore_mem>>)
      %add3A_147 = arith.constant 3 : i32
      %add3A_148 = arith.addi %mul3A_84, %add3A_147 : i32
      %ge3A_149 = arith.constant 5 : i32
      %ge3A_150 = arith.cmpi sge, %add3A_148, %ge3A_149 : i32
      %convert_element_type3A_151 = arith.extui %ge3A_150 : i1 to i32
      %cond3A_152 = arith.constant 0 : i32
      %cond3A_153 = arith.cmpi ne, %convert_element_type3A_151, %cond3A_152 : i32
      scf.if %cond3A_153 {
        %dma_wait3A_346 = arith.constant 3 : i32
        %dma_wait3A_347 = arith.constant 0 : i32
        %dma_wait3A_348 = arith.constant 0 : i32
        %dma_wait3A_349 = tpu.memref_slice %arg6[%dma_wait3A_346, %dma_wait3A_347, %dma_wait3A_348] : memref<5x128x128xf32, #tpu.memory_space<vmem>> -> memref<1x128x128xf32, #tpu.memory_space<vmem>>
        %dma_wait3A_350 = tpu.memref_squeeze %dma_wait3A_349 : memref<1x128x128xf32, #tpu.memory_space<vmem>> -> memref<128x128xf32, #tpu.memory_space<vmem>>
        %dma_wait3A_351 = arith.constant 0 : i32
        %dma_wait3A_352 = arith.constant 0 : i32
        %dma_wait3A_353 = tpu.memref_slice %arg4[%dma_wait3A_351, %dma_wait3A_352] : memref<204800x128xf32, #tpu.memory_space<hbm>> -> memref<128x128xf32, #tpu.memory_space<hbm>>
        %dma_wait3A_354 = arith.constant 0 : i32
        %dma_wait3A_355 = arith.constant 0 : i32
        %dma_wait3A_356 = tpu.memref_slice %arg4[%dma_wait3A_354, %dma_wait3A_355] : memref<204800x128xf32, #tpu.memory_space<hbm>> -> memref<128x128xf32, #tpu.memory_space<hbm>>
        %dma_wait3A_357 = arith.constant 0 : i32
        %dma_wait3A_358 = arith.constant 0 : i32
        %dma_wait3A_359 = tpu.memref_slice %arg6[%dma_wait3A_346, %dma_wait3A_357, %dma_wait3A_358] : memref<5x128x128xf32, #tpu.memory_space<vmem>> -> memref<1x128x128xf32, #tpu.memory_space<vmem>>
        %dma_wait3A_360 = tpu.memref_squeeze %dma_wait3A_359 : memref<1x128x128xf32, #tpu.memory_space<vmem>> -> memref<128x128xf32, #tpu.memory_space<vmem>>
        tpu.wait_dma2 semaphore(%arg8 : memref<!tpu.dma_semaphore, #tpu.memory_space<semaphore_mem>>) src(%dma_wait3A_360 : memref<128x128xf32, #tpu.memory_space<vmem>>) dst(%dma_wait3A_356 : memref<128x128xf32, #tpu.memory_space<hbm>>)
      } else {
      }
      %add3A_154 = arith.constant 3 : i32
      %add3A_155 = arith.addi %mul3A_84, %add3A_154 : i32
      %add3A_156 = arith.constant 0 : i32
      %add3A_157 = arith.addi %add3A_155, %add3A_156 : i32
      %dma_start3A_158 = arith.constant 3 : i32
      %dma_start3A_159 = arith.constant 0 : i32
      %dma_start3A_160 = arith.constant 0 : i32
      %dma_start3A_161 = tpu.memref_slice %arg6[%dma_start3A_158, %dma_start3A_159, %dma_start3A_160] : memref<5x128x128xf32, #tpu.memory_space<vmem>> -> memref<1x128x128xf32, #tpu.memory_space<vmem>>
      %dma_start3A_162 = tpu.memref_squeeze %dma_start3A_161 : memref<1x128x128xf32, #tpu.memory_space<vmem>> -> memref<128x128xf32, #tpu.memory_space<vmem>>
      %dma_start3A_163 = arith.constant 0 : i32
      %dma_start3A_164 = tpu.memref_slice %arg5[%add3A_157, %dma_start3A_163] : memref<50x128xi32, #tpu.memory_space<vmem>> -> memref<1x128xi32, #tpu.memory_space<vmem>>
      %dma_start3A_165 = tpu.memref_squeeze %dma_start3A_164 : memref<1x128xi32, #tpu.memory_space<vmem>> -> memref<128xi32, #tpu.memory_space<vmem>>
      %dma_start3A_166 = arith.constant 0 : i32
      %dma_start3A_167 = arith.constant 0 : i32
      %dma_start3A_168 = tpu.memref_slice %arg2[%dma_start3A_166, %dma_start3A_167] : memref<100000x128xf32, #tpu.memory_space<hbm>> -> memref<100000x128xf32, #tpu.memory_space<hbm>>
      tpu.enqueue_indirect_dma source(%dma_start3A_168 : memref<100000x128xf32, #tpu.memory_space<hbm>>) target(%dma_start3A_162 : memref<128x128xf32, #tpu.memory_space<vmem>>) offsets(%dma_start3A_165 : memref<128xi32, #tpu.memory_space<vmem>>) semaphore(%arg7 : memref<!tpu.dma_semaphore, #tpu.memory_space<semaphore_mem>>)
      %add3A_169 = arith.constant 4 : i32
      %add3A_170 = arith.addi %mul3A_84, %add3A_169 : i32
      %ge3A_171 = arith.constant 5 : i32
      %ge3A_172 = arith.cmpi sge, %add3A_170, %ge3A_171 : i32
      %convert_element_type3A_173 = arith.extui %ge3A_172 : i1 to i32
      %cond3A_174 = arith.constant 0 : i32
      %cond3A_175 = arith.cmpi ne, %convert_element_type3A_173, %cond3A_174 : i32
      scf.if %cond3A_175 {
        %dma_wait3A_346 = arith.constant 4 : i32
        %dma_wait3A_347 = arith.constant 0 : i32
        %dma_wait3A_348 = arith.constant 0 : i32
        %dma_wait3A_349 = tpu.memref_slice %arg6[%dma_wait3A_346, %dma_wait3A_347, %dma_wait3A_348] : memref<5x128x128xf32, #tpu.memory_space<vmem>> -> memref<1x128x128xf32, #tpu.memory_space<vmem>>
        %dma_wait3A_350 = tpu.memref_squeeze %dma_wait3A_349 : memref<1x128x128xf32, #tpu.memory_space<vmem>> -> memref<128x128xf32, #tpu.memory_space<vmem>>
        %dma_wait3A_351 = arith.constant 0 : i32
        %dma_wait3A_352 = arith.constant 0 : i32
        %dma_wait3A_353 = tpu.memref_slice %arg4[%dma_wait3A_351, %dma_wait3A_352] : memref<204800x128xf32, #tpu.memory_space<hbm>> -> memref<128x128xf32, #tpu.memory_space<hbm>>
        %dma_wait3A_354 = arith.constant 0 : i32
        %dma_wait3A_355 = arith.constant 0 : i32
        %dma_wait3A_356 = tpu.memref_slice %arg4[%dma_wait3A_354, %dma_wait3A_355] : memref<204800x128xf32, #tpu.memory_space<hbm>> -> memref<128x128xf32, #tpu.memory_space<hbm>>
        %dma_wait3A_357 = arith.constant 0 : i32
        %dma_wait3A_358 = arith.constant 0 : i32
        %dma_wait3A_359 = tpu.memref_slice %arg6[%dma_wait3A_346, %dma_wait3A_357, %dma_wait3A_358] : memref<5x128x128xf32, #tpu.memory_space<vmem>> -> memref<1x128x128xf32, #tpu.memory_space<vmem>>
        %dma_wait3A_360 = tpu.memref_squeeze %dma_wait3A_359 : memref<1x128x128xf32, #tpu.memory_space<vmem>> -> memref<128x128xf32, #tpu.memory_space<vmem>>
        tpu.wait_dma2 semaphore(%arg8 : memref<!tpu.dma_semaphore, #tpu.memory_space<semaphore_mem>>) src(%dma_wait3A_360 : memref<128x128xf32, #tpu.memory_space<vmem>>) dst(%dma_wait3A_356 : memref<128x128xf32, #tpu.memory_space<hbm>>)
      } else {
      }
      %add3A_176 = arith.constant 4 : i32
      %add3A_177 = arith.addi %mul3A_84, %add3A_176 : i32
      %add3A_178 = arith.constant 0 : i32
      %add3A_179 = arith.addi %add3A_177, %add3A_178 : i32
      %dma_start3A_180 = arith.constant 4 : i32
      %dma_start3A_181 = arith.constant 0 : i32
      %dma_start3A_182 = arith.constant 0 : i32
      %dma_start3A_183 = tpu.memref_slice %arg6[%dma_start3A_180, %dma_start3A_181, %dma_start3A_182] : memref<5x128x128xf32, #tpu.memory_space<vmem>> -> memref<1x128x128xf32, #tpu.memory_space<vmem>>
      %dma_start3A_184 = tpu.memref_squeeze %dma_start3A_183 : memref<1x128x128xf32, #tpu.memory_space<vmem>> -> memref<128x128xf32, #tpu.memory_space<vmem>>
      %dma_start3A_185 = arith.constant 0 : i32
      %dma_start3A_186 = tpu.memref_slice %arg5[%add3A_179, %dma_start3A_185] : memref<50x128xi32, #tpu.memory_space<vmem>> -> memref<1x128xi32, #tpu.memory_space<vmem>>
      %dma_start3A_187 = tpu.memref_squeeze %dma_start3A_186 : memref<1x128xi32, #tpu.memory_space<vmem>> -> memref<128xi32, #tpu.memory_space<vmem>>
      %dma_start3A_188 = arith.constant 0 : i32
      %dma_start3A_189 = arith.constant 0 : i32
      %dma_start3A_190 = tpu.memref_slice %arg2[%dma_start3A_188, %dma_start3A_189] : memref<100000x128xf32, #tpu.memory_space<hbm>> -> memref<100000x128xf32, #tpu.memory_space<hbm>>
      tpu.enqueue_indirect_dma source(%dma_start3A_190 : memref<100000x128xf32, #tpu.memory_space<hbm>>) target(%dma_start3A_184 : memref<128x128xf32, #tpu.memory_space<vmem>>) offsets(%dma_start3A_187 : memref<128xi32, #tpu.memory_space<vmem>>) semaphore(%arg7 : memref<!tpu.dma_semaphore, #tpu.memory_space<semaphore_mem>>)
      %dma_wait3A_191 = arith.constant 0 : i32
      %dma_wait3A_192 = arith.constant 0 : i32
      %dma_wait3A_193 = arith.constant 0 : i32
      %dma_wait3A_194 = tpu.memref_slice %arg6[%dma_wait3A_191, %dma_wait3A_192, %dma_wait3A_193] : memref<5x128x128xf32, #tpu.memory_space<vmem>> -> memref<1x128x128xf32, #tpu.memory_space<vmem>>
      %dma_wait3A_195 = tpu.memref_squeeze %dma_wait3A_194 : memref<1x128x128xf32, #tpu.memory_space<vmem>> -> memref<128x128xf32, #tpu.memory_space<vmem>>
      %dma_wait3A_196 = arith.constant 0 : i32
      %dma_wait3A_197 = tpu.memref_slice %arg5[%add3A_92, %dma_wait3A_196] : memref<50x128xi32, #tpu.memory_space<vmem>> -> memref<1x128xi32, #tpu.memory_space<vmem>>
      %dma_wait3A_198 = tpu.memref_squeeze %dma_wait3A_197 : memref<1x128xi32, #tpu.memory_space<vmem>> -> memref<128xi32, #tpu.memory_space<vmem>>
      %dma_wait3A_199 = arith.constant 0 : i32
      %dma_wait3A_200 = arith.constant 0 : i32
      %dma_wait3A_201 = tpu.memref_slice %arg2[%dma_wait3A_199, %dma_wait3A_200] : memref<100000x128xf32, #tpu.memory_space<hbm>> -> memref<100000x128xf32, #tpu.memory_space<hbm>>
      tpu.wait_indirect_dma semaphore(%arg7 : memref<!tpu.dma_semaphore, #tpu.memory_space<semaphore_mem>>) src(%dma_wait3A_201 : memref<100000x128xf32, #tpu.memory_space<hbm>>) dst(%dma_wait3A_195 : memref<128x128xf32, #tpu.memory_space<vmem>>)
      %mul3A_202 = arith.constant 6400 : i32
      %mul3A_203 = arith.muli %add3A, %mul3A_202 : i32
      %add3A_204 = arith.constant 0 : i32
      %add3A_205 = arith.addi %mul3A_84, %add3A_204 : i32
      %mul3A_206 = arith.constant 128 : i32
      %mul3A_207 = arith.muli %add3A_205, %mul3A_206 : i32
      %add3A_208 = arith.addi %mul3A_203, %mul3A_207 : i32
      %dma_start3A_209 = arith.constant 0 : i32
      %dma_start3A_210 = arith.constant 0 : i32
      %dma_start3A_211 = arith.constant 0 : i32
      %dma_start3A_212 = tpu.memref_slice %arg6[%dma_start3A_209, %dma_start3A_210, %dma_start3A_211] : memref<5x128x128xf32, #tpu.memory_space<vmem>> -> memref<1x128x128xf32, #tpu.memory_space<vmem>>
      %dma_start3A_213 = tpu.memref_squeeze %dma_start3A_212 : memref<1x128x128xf32, #tpu.memory_space<vmem>> -> memref<128x128xf32, #tpu.memory_space<vmem>>
      %dma_start3A_214 = arith.constant 0 : i32
      %dma_start3A_215 = tpu.memref_slice %arg4[%add3A_208, %dma_start3A_214] : memref<204800x128xf32, #tpu.memory_space<hbm>> -> memref<128x128xf32, #tpu.memory_space<hbm>>
      %dma_start3A_216 = arith.constant 0 : i32
      %dma_start3A_217 = tpu.memref_slice %arg4[%add3A_208, %dma_start3A_216] : memref<204800x128xf32, #tpu.memory_space<hbm>> -> memref<128x128xf32, #tpu.memory_space<hbm>>
      %dma_start3A_218 = arith.constant 0 : i32
      %dma_start3A_219 = arith.constant 0 : i32
      %dma_start3A_220 = tpu.memref_slice %arg6[%dma_start3A_209, %dma_start3A_218, %dma_start3A_219] : memref<5x128x128xf32, #tpu.memory_space<vmem>> -> memref<1x128x128xf32, #tpu.memory_space<vmem>>
      %dma_start3A_221 = tpu.memref_squeeze %dma_start3A_220 : memref<1x128x128xf32, #tpu.memory_space<vmem>> -> memref<128x128xf32, #tpu.memory_space<vmem>>
      tpu.enqueue_dma source(%dma_start3A_221 : memref<128x128xf32, #tpu.memory_space<vmem>>) target(%dma_start3A_217 : memref<128x128xf32, #tpu.memory_space<hbm>>) target_semaphore(%arg8 : memref<!tpu.dma_semaphore, #tpu.memory_space<semaphore_mem>>)
      %dma_wait3A_222 = arith.constant 1 : i32
      %dma_wait3A_223 = arith.constant 0 : i32
      %dma_wait3A_224 = arith.constant 0 : i32
      %dma_wait3A_225 = tpu.memref_slice %arg6[%dma_wait3A_222, %dma_wait3A_223, %dma_wait3A_224] : memref<5x128x128xf32, #tpu.memory_space<vmem>> -> memref<1x128x128xf32, #tpu.memory_space<vmem>>
      %dma_wait3A_226 = tpu.memref_squeeze %dma_wait3A_225 : memref<1x128x128xf32, #tpu.memory_space<vmem>> -> memref<128x128xf32, #tpu.memory_space<vmem>>
      %dma_wait3A_227 = arith.constant 0 : i32
      %dma_wait3A_228 = tpu.memref_slice %arg5[%add3A_113, %dma_wait3A_227] : memref<50x128xi32, #tpu.memory_space<vmem>> -> memref<1x128xi32, #tpu.memory_space<vmem>>
      %dma_wait3A_229 = tpu.memref_squeeze %dma_wait3A_228 : memref<1x128xi32, #tpu.memory_space<vmem>> -> memref<128xi32, #tpu.memory_space<vmem>>
      %dma_wait3A_230 = arith.constant 0 : i32
      %dma_wait3A_231 = arith.constant 0 : i32
      %dma_wait3A_232 = tpu.memref_slice %arg2[%dma_wait3A_230, %dma_wait3A_231] : memref<100000x128xf32, #tpu.memory_space<hbm>> -> memref<100000x128xf32, #tpu.memory_space<hbm>>
      tpu.wait_indirect_dma semaphore(%arg7 : memref<!tpu.dma_semaphore, #tpu.memory_space<semaphore_mem>>) src(%dma_wait3A_232 : memref<100000x128xf32, #tpu.memory_space<hbm>>) dst(%dma_wait3A_226 : memref<128x128xf32, #tpu.memory_space<vmem>>)
      %mul3A_233 = arith.constant 6400 : i32
      %mul3A_234 = arith.muli %add3A, %mul3A_233 : i32
      %add3A_235 = arith.constant 1 : i32
      %add3A_236 = arith.addi %mul3A_84, %add3A_235 : i32
      %mul3A_237 = arith.constant 128 : i32
      %mul3A_238 = arith.muli %add3A_236, %mul3A_237 : i32
      %add3A_239 = arith.addi %mul3A_234, %mul3A_238 : i32
      %dma_start3A_240 = arith.constant 1 : i32
      %dma_start3A_241 = arith.constant 0 : i32
      %dma_start3A_242 = arith.constant 0 : i32
      %dma_start3A_243 = tpu.memref_slice %arg6[%dma_start3A_240, %dma_start3A_241, %dma_start3A_242] : memref<5x128x128xf32, #tpu.memory_space<vmem>> -> memref<1x128x128xf32, #tpu.memory_space<vmem>>
      %dma_start3A_244 = tpu.memref_squeeze %dma_start3A_243 : memref<1x128x128xf32, #tpu.memory_space<vmem>> -> memref<128x128xf32, #tpu.memory_space<vmem>>
      %dma_start3A_245 = arith.constant 0 : i32
      %dma_start3A_246 = tpu.memref_slice %arg4[%add3A_239, %dma_start3A_245] : memref<204800x128xf32, #tpu.memory_space<hbm>> -> memref<128x128xf32, #tpu.memory_space<hbm>>
      %dma_start3A_247 = arith.constant 0 : i32
      %dma_start3A_248 = tpu.memref_slice %arg4[%add3A_239, %dma_start3A_247] : memref<204800x128xf32, #tpu.memory_space<hbm>> -> memref<128x128xf32, #tpu.memory_space<hbm>>
      %dma_start3A_249 = arith.constant 0 : i32
      %dma_start3A_250 = arith.constant 0 : i32
      %dma_start3A_251 = tpu.memref_slice %arg6[%dma_start3A_240, %dma_start3A_249, %dma_start3A_250] : memref<5x128x128xf32, #tpu.memory_space<vmem>> -> memref<1x128x128xf32, #tpu.memory_space<vmem>>
      %dma_start3A_252 = tpu.memref_squeeze %dma_start3A_251 : memref<1x128x128xf32, #tpu.memory_space<vmem>> -> memref<128x128xf32, #tpu.memory_space<vmem>>
      tpu.enqueue_dma source(%dma_start3A_252 : memref<128x128xf32, #tpu.memory_space<vmem>>) target(%dma_start3A_248 : memref<128x128xf32, #tpu.memory_space<hbm>>) target_semaphore(%arg8 : memref<!tpu.dma_semaphore, #tpu.memory_space<semaphore_mem>>)
      %dma_wait3A_253 = arith.constant 2 : i32
      %dma_wait3A_254 = arith.constant 0 : i32
      %dma_wait3A_255 = arith.constant 0 : i32
      %dma_wait3A_256 = tpu.memref_slice %arg6[%dma_wait3A_253, %dma_wait3A_254, %dma_wait3A_255] : memref<5x128x128xf32, #tpu.memory_space<vmem>> -> memref<1x128x128xf32, #tpu.memory_space<vmem>>
      %dma_wait3A_257 = tpu.memref_squeeze %dma_wait3A_256 : memref<1x128x128xf32, #tpu.memory_space<vmem>> -> memref<128x128xf32, #tpu.memory_space<vmem>>
      %dma_wait3A_258 = arith.constant 0 : i32
      %dma_wait3A_259 = tpu.memref_slice %arg5[%add3A_135, %dma_wait3A_258] : memref<50x128xi32, #tpu.memory_space<vmem>> -> memref<1x128xi32, #tpu.memory_space<vmem>>
      %dma_wait3A_260 = tpu.memref_squeeze %dma_wait3A_259 : memref<1x128xi32, #tpu.memory_space<vmem>> -> memref<128xi32, #tpu.memory_space<vmem>>
      %dma_wait3A_261 = arith.constant 0 : i32
      %dma_wait3A_262 = arith.constant 0 : i32
      %dma_wait3A_263 = tpu.memref_slice %arg2[%dma_wait3A_261, %dma_wait3A_262] : memref<100000x128xf32, #tpu.memory_space<hbm>> -> memref<100000x128xf32, #tpu.memory_space<hbm>>
      tpu.wait_indirect_dma semaphore(%arg7 : memref<!tpu.dma_semaphore, #tpu.memory_space<semaphore_mem>>) src(%dma_wait3A_263 : memref<100000x128xf32, #tpu.memory_space<hbm>>) dst(%dma_wait3A_257 : memref<128x128xf32, #tpu.memory_space<vmem>>)
      %mul3A_264 = arith.constant 6400 : i32
      %mul3A_265 = arith.muli %add3A, %mul3A_264 : i32
      %add3A_266 = arith.constant 2 : i32
      %add3A_267 = arith.addi %mul3A_84, %add3A_266 : i32
      %mul3A_268 = arith.constant 128 : i32
      %mul3A_269 = arith.muli %add3A_267, %mul3A_268 : i32
      %add3A_270 = arith.addi %mul3A_265, %mul3A_269 : i32
      %dma_start3A_271 = arith.constant 2 : i32
      %dma_start3A_272 = arith.constant 0 : i32
      %dma_start3A_273 = arith.constant 0 : i32
      %dma_start3A_274 = tpu.memref_slice %arg6[%dma_start3A_271, %dma_start3A_272, %dma_start3A_273] : memref<5x128x128xf32, #tpu.memory_space<vmem>> -> memref<1x128x128xf32, #tpu.memory_space<vmem>>
      %dma_start3A_275 = tpu.memref_squeeze %dma_start3A_274 : memref<1x128x128xf32, #tpu.memory_space<vmem>> -> memref<128x128xf32, #tpu.memory_space<vmem>>
      %dma_start3A_276 = arith.constant 0 : i32
      %dma_start3A_277 = tpu.memref_slice %arg4[%add3A_270, %dma_start3A_276] : memref<204800x128xf32, #tpu.memory_space<hbm>> -> memref<128x128xf32, #tpu.memory_space<hbm>>
      %dma_start3A_278 = arith.constant 0 : i32
      %dma_start3A_279 = tpu.memref_slice %arg4[%add3A_270, %dma_start3A_278] : memref<204800x128xf32, #tpu.memory_space<hbm>> -> memref<128x128xf32, #tpu.memory_space<hbm>>
      %dma_start3A_280 = arith.constant 0 : i32
      %dma_start3A_281 = arith.constant 0 : i32
      %dma_start3A_282 = tpu.memref_slice %arg6[%dma_start3A_271, %dma_start3A_280, %dma_start3A_281] : memref<5x128x128xf32, #tpu.memory_space<vmem>> -> memref<1x128x128xf32, #tpu.memory_space<vmem>>
      %dma_start3A_283 = tpu.memref_squeeze %dma_start3A_282 : memref<1x128x128xf32, #tpu.memory_space<vmem>> -> memref<128x128xf32, #tpu.memory_space<vmem>>
      tpu.enqueue_dma source(%dma_start3A_283 : memref<128x128xf32, #tpu.memory_space<vmem>>) target(%dma_start3A_279 : memref<128x128xf32, #tpu.memory_space<hbm>>) target_semaphore(%arg8 : memref<!tpu.dma_semaphore, #tpu.memory_space<semaphore_mem>>)
      %dma_wait3A_284 = arith.constant 3 : i32
      %dma_wait3A_285 = arith.constant 0 : i32
      %dma_wait3A_286 = arith.constant 0 : i32
      %dma_wait3A_287 = tpu.memref_slice %arg6[%dma_wait3A_284, %dma_wait3A_285, %dma_wait3A_286] : memref<5x128x128xf32, #tpu.memory_space<vmem>> -> memref<1x128x128xf32, #tpu.memory_space<vmem>>
      %dma_wait3A_288 = tpu.memref_squeeze %dma_wait3A_287 : memref<1x128x128xf32, #tpu.memory_space<vmem>> -> memref<128x128xf32, #tpu.memory_space<vmem>>
      %dma_wait3A_289 = arith.constant 0 : i32
      %dma_wait3A_290 = tpu.memref_slice %arg5[%add3A_157, %dma_wait3A_289] : memref<50x128xi32, #tpu.memory_space<vmem>> -> memref<1x128xi32, #tpu.memory_space<vmem>>
      %dma_wait3A_291 = tpu.memref_squeeze %dma_wait3A_290 : memref<1x128xi32, #tpu.memory_space<vmem>> -> memref<128xi32, #tpu.memory_space<vmem>>
      %dma_wait3A_292 = arith.constant 0 : i32
      %dma_wait3A_293 = arith.constant 0 : i32
      %dma_wait3A_294 = tpu.memref_slice %arg2[%dma_wait3A_292, %dma_wait3A_293] : memref<100000x128xf32, #tpu.memory_space<hbm>> -> memref<100000x128xf32, #tpu.memory_space<hbm>>
      tpu.wait_indirect_dma semaphore(%arg7 : memref<!tpu.dma_semaphore, #tpu.memory_space<semaphore_mem>>) src(%dma_wait3A_294 : memref<100000x128xf32, #tpu.memory_space<hbm>>) dst(%dma_wait3A_288 : memref<128x128xf32, #tpu.memory_space<vmem>>)
      %mul3A_295 = arith.constant 6400 : i32
      %mul3A_296 = arith.muli %add3A, %mul3A_295 : i32
      %add3A_297 = arith.constant 3 : i32
      %add3A_298 = arith.addi %mul3A_84, %add3A_297 : i32
      %mul3A_299 = arith.constant 128 : i32
      %mul3A_300 = arith.muli %add3A_298, %mul3A_299 : i32
      %add3A_301 = arith.addi %mul3A_296, %mul3A_300 : i32
      %dma_start3A_302 = arith.constant 3 : i32
      %dma_start3A_303 = arith.constant 0 : i32
      %dma_start3A_304 = arith.constant 0 : i32
      %dma_start3A_305 = tpu.memref_slice %arg6[%dma_start3A_302, %dma_start3A_303, %dma_start3A_304] : memref<5x128x128xf32, #tpu.memory_space<vmem>> -> memref<1x128x128xf32, #tpu.memory_space<vmem>>
      %dma_start3A_306 = tpu.memref_squeeze %dma_start3A_305 : memref<1x128x128xf32, #tpu.memory_space<vmem>> -> memref<128x128xf32, #tpu.memory_space<vmem>>
      %dma_start3A_307 = arith.constant 0 : i32
      %dma_start3A_308 = tpu.memref_slice %arg4[%add3A_301, %dma_start3A_307] : memref<204800x128xf32, #tpu.memory_space<hbm>> -> memref<128x128xf32, #tpu.memory_space<hbm>>
      %dma_start3A_309 = arith.constant 0 : i32
      %dma_start3A_310 = tpu.memref_slice %arg4[%add3A_301, %dma_start3A_309] : memref<204800x128xf32, #tpu.memory_space<hbm>> -> memref<128x128xf32, #tpu.memory_space<hbm>>
      %dma_start3A_311 = arith.constant 0 : i32
      %dma_start3A_312 = arith.constant 0 : i32
      %dma_start3A_313 = tpu.memref_slice %arg6[%dma_start3A_302, %dma_start3A_311, %dma_start3A_312] : memref<5x128x128xf32, #tpu.memory_space<vmem>> -> memref<1x128x128xf32, #tpu.memory_space<vmem>>
      %dma_start3A_314 = tpu.memref_squeeze %dma_start3A_313 : memref<1x128x128xf32, #tpu.memory_space<vmem>> -> memref<128x128xf32, #tpu.memory_space<vmem>>
      tpu.enqueue_dma source(%dma_start3A_314 : memref<128x128xf32, #tpu.memory_space<vmem>>) target(%dma_start3A_310 : memref<128x128xf32, #tpu.memory_space<hbm>>) target_semaphore(%arg8 : memref<!tpu.dma_semaphore, #tpu.memory_space<semaphore_mem>>)
      %dma_wait3A_315 = arith.constant 4 : i32
      %dma_wait3A_316 = arith.constant 0 : i32
      %dma_wait3A_317 = arith.constant 0 : i32
      %dma_wait3A_318 = tpu.memref_slice %arg6[%dma_wait3A_315, %dma_wait3A_316, %dma_wait3A_317] : memref<5x128x128xf32, #tpu.memory_space<vmem>> -> memref<1x128x128xf32, #tpu.memory_space<vmem>>
      %dma_wait3A_319 = tpu.memref_squeeze %dma_wait3A_318 : memref<1x128x128xf32, #tpu.memory_space<vmem>> -> memref<128x128xf32, #tpu.memory_space<vmem>>
      %dma_wait3A_320 = arith.constant 0 : i32
      %dma_wait3A_321 = tpu.memref_slice %arg5[%add3A_179, %dma_wait3A_320] : memref<50x128xi32, #tpu.memory_space<vmem>> -> memref<1x128xi32, #tpu.memory_space<vmem>>
      %dma_wait3A_322 = tpu.memref_squeeze %dma_wait3A_321 : memref<1x128xi32, #tpu.memory_space<vmem>> -> memref<128xi32, #tpu.memory_space<vmem>>
      %dma_wait3A_323 = arith.constant 0 : i32
      %dma_wait3A_324 = arith.constant 0 : i32
      %dma_wait3A_325 = tpu.memref_slice %arg2[%dma_wait3A_323, %dma_wait3A_324] : memref<100000x128xf32, #tpu.memory_space<hbm>> -> memref<100000x128xf32, #tpu.memory_space<hbm>>
      tpu.wait_indirect_dma semaphore(%arg7 : memref<!tpu.dma_semaphore, #tpu.memory_space<semaphore_mem>>) src(%dma_wait3A_325 : memref<100000x128xf32, #tpu.memory_space<hbm>>) dst(%dma_wait3A_319 : memref<128x128xf32, #tpu.memory_space<vmem>>)
      %mul3A_326 = arith.constant 6400 : i32
      %mul3A_327 = arith.muli %add3A, %mul3A_326 : i32
      %add3A_328 = arith.constant 4 : i32
      %add3A_329 = arith.addi %mul3A_84, %add3A_328 : i32
      %mul3A_330 = arith.constant 128 : i32
      %mul3A_331 = arith.muli %add3A_329, %mul3A_330 : i32
      %add3A_332 = arith.addi %mul3A_327, %mul3A_331 : i32
      %dma_start3A_333 = arith.constant 4 : i32
      %dma_start3A_334 = arith.constant 0 : i32
      %dma_start3A_335 = arith.constant 0 : i32
      %dma_start3A_336 = tpu.memref_slice %arg6[%dma_start3A_333, %dma_start3A_334, %dma_start3A_335] : memref<5x128x128xf32, #tpu.memory_space<vmem>> -> memref<1x128x128xf32, #tpu.memory_space<vmem>>
      %dma_start3A_337 = tpu.memref_squeeze %dma_start3A_336 : memref<1x128x128xf32, #tpu.memory_space<vmem>> -> memref<128x128xf32, #tpu.memory_space<vmem>>
      %dma_start3A_338 = arith.constant 0 : i32
      %dma_start3A_339 = tpu.memref_slice %arg4[%add3A_332, %dma_start3A_338] : memref<204800x128xf32, #tpu.memory_space<hbm>> -> memref<128x128xf32, #tpu.memory_space<hbm>>
      %dma_start3A_340 = arith.constant 0 : i32
      %dma_start3A_341 = tpu.memref_slice %arg4[%add3A_332, %dma_start3A_340] : memref<204800x128xf32, #tpu.memory_space<hbm>> -> memref<128x128xf32, #tpu.memory_space<hbm>>
      %dma_start3A_342 = arith.constant 0 : i32
      %dma_start3A_343 = arith.constant 0 : i32
      %dma_start3A_344 = tpu.memref_slice %arg6[%dma_start3A_333, %dma_start3A_342, %dma_start3A_343] : memref<5x128x128xf32, #tpu.memory_space<vmem>> -> memref<1x128x128xf32, #tpu.memory_space<vmem>>
      %dma_start3A_345 = tpu.memref_squeeze %dma_start3A_344 : memref<1x128x128xf32, #tpu.memory_space<vmem>> -> memref<128x128xf32, #tpu.memory_space<vmem>>
      tpu.enqueue_dma source(%dma_start3A_345 : memref<128x128xf32, #tpu.memory_space<vmem>>) target(%dma_start3A_341 : memref<128x128xf32, #tpu.memory_space<hbm>>) target_semaphore(%arg8 : memref<!tpu.dma_semaphore, #tpu.memory_space<semaphore_mem>>)
    }
    %scan3A_5 = arith.constant 10 : i32
    %dma_wait3A = arith.constant 0 : i32
    %dma_wait3A_6 = arith.constant 0 : i32
    %dma_wait3A_7 = arith.constant 0 : i32
    %dma_wait3A_8 = tpu.memref_slice %arg6[%dma_wait3A, %dma_wait3A_6, %dma_wait3A_7] : memref<5x128x128xf32, #tpu.memory_space<vmem>> -> memref<1x128x128xf32, #tpu.memory_space<vmem>>
    %dma_wait3A_9 = tpu.memref_squeeze %dma_wait3A_8 : memref<1x128x128xf32, #tpu.memory_space<vmem>> -> memref<128x128xf32, #tpu.memory_space<vmem>>
    %dma_wait3A_10 = arith.constant 0 : i32
    %dma_wait3A_11 = arith.constant 0 : i32
    %dma_wait3A_12 = tpu.memref_slice %arg4[%dma_wait3A_10, %dma_wait3A_11] : memref<204800x128xf32, #tpu.memory_space<hbm>> -> memref<128x128xf32, #tpu.memory_space<hbm>>
    %dma_wait3A_13 = arith.constant 0 : i32
    %dma_wait3A_14 = arith.constant 0 : i32
    %dma_wait3A_15 = tpu.memref_slice %arg4[%dma_wait3A_13, %dma_wait3A_14] : memref<204800x128xf32, #tpu.memory_space<hbm>> -> memref<128x128xf32, #tpu.memory_space<hbm>>
    %dma_wait3A_16 = arith.constant 0 : i32
    %dma_wait3A_17 = arith.constant 0 : i32
    %dma_wait3A_18 = tpu.memref_slice %arg6[%dma_wait3A, %dma_wait3A_16, %dma_wait3A_17] : memref<5x128x128xf32, #tpu.memory_space<vmem>> -> memref<1x128x128xf32, #tpu.memory_space<vmem>>
    %dma_wait3A_19 = tpu.memref_squeeze %dma_wait3A_18 : memref<1x128x128xf32, #tpu.memory_space<vmem>> -> memref<128x128xf32, #tpu.memory_space<vmem>>
    tpu.wait_dma2 semaphore(%arg8 : memref<!tpu.dma_semaphore, #tpu.memory_space<semaphore_mem>>) src(%dma_wait3A_19 : memref<128x128xf32, #tpu.memory_space<vmem>>) dst(%dma_wait3A_15 : memref<128x128xf32, #tpu.memory_space<hbm>>)
    %dma_wait3A_20 = arith.constant 1 : i32
    %dma_wait3A_21 = arith.constant 0 : i32
    %dma_wait3A_22 = arith.constant 0 : i32
    %dma_wait3A_23 = tpu.memref_slice %arg6[%dma_wait3A_20, %dma_wait3A_21, %dma_wait3A_22] : memref<5x128x128xf32, #tpu.memory_space<vmem>> -> memref<1x128x128xf32, #tpu.memory_space<vmem>>
    %dma_wait3A_24 = tpu.memref_squeeze %dma_wait3A_23 : memref<1x128x128xf32, #tpu.memory_space<vmem>> -> memref<128x128xf32, #tpu.memory_space<vmem>>
    %dma_wait3A_25 = arith.constant 0 : i32
    %dma_wait3A_26 = arith.constant 0 : i32
    %dma_wait3A_27 = tpu.memref_slice %arg4[%dma_wait3A_25, %dma_wait3A_26] : memref<204800x128xf32, #tpu.memory_space<hbm>> -> memref<128x128xf32, #tpu.memory_space<hbm>>
    %dma_wait3A_28 = arith.constant 0 : i32
    %dma_wait3A_29 = arith.constant 0 : i32
    %dma_wait3A_30 = tpu.memref_slice %arg4[%dma_wait3A_28, %dma_wait3A_29] : memref<204800x128xf32, #tpu.memory_space<hbm>> -> memref<128x128xf32, #tpu.memory_space<hbm>>
    %dma_wait3A_31 = arith.constant 0 : i32
    %dma_wait3A_32 = arith.constant 0 : i32
    %dma_wait3A_33 = tpu.memref_slice %arg6[%dma_wait3A_20, %dma_wait3A_31, %dma_wait3A_32] : memref<5x128x128xf32, #tpu.memory_space<vmem>> -> memref<1x128x128xf32, #tpu.memory_space<vmem>>
    %dma_wait3A_34 = tpu.memref_squeeze %dma_wait3A_33 : memref<1x128x128xf32, #tpu.memory_space<vmem>> -> memref<128x128xf32, #tpu.memory_space<vmem>>
    tpu.wait_dma2 semaphore(%arg8 : memref<!tpu.dma_semaphore, #tpu.memory_space<semaphore_mem>>) src(%dma_wait3A_34 : memref<128x128xf32, #tpu.memory_space<vmem>>) dst(%dma_wait3A_30 : memref<128x128xf32, #tpu.memory_space<hbm>>)
    %dma_wait3A_35 = arith.constant 2 : i32
    %dma_wait3A_36 = arith.constant 0 : i32
    %dma_wait3A_37 = arith.constant 0 : i32
    %dma_wait3A_38 = tpu.memref_slice %arg6[%dma_wait3A_35, %dma_wait3A_36, %dma_wait3A_37] : memref<5x128x128xf32, #tpu.memory_space<vmem>> -> memref<1x128x128xf32, #tpu.memory_space<vmem>>
    %dma_wait3A_39 = tpu.memref_squeeze %dma_wait3A_38 : memref<1x128x128xf32, #tpu.memory_space<vmem>> -> memref<128x128xf32, #tpu.memory_space<vmem>>
    %dma_wait3A_40 = arith.constant 0 : i32
    %dma_wait3A_41 = arith.constant 0 : i32
    %dma_wait3A_42 = tpu.memref_slice %arg4[%dma_wait3A_40, %dma_wait3A_41] : memref<204800x128xf32, #tpu.memory_space<hbm>> -> memref<128x128xf32, #tpu.memory_space<hbm>>
    %dma_wait3A_43 = arith.constant 0 : i32
    %dma_wait3A_44 = arith.constant 0 : i32
    %dma_wait3A_45 = tpu.memref_slice %arg4[%dma_wait3A_43, %dma_wait3A_44] : memref<204800x128xf32, #tpu.memory_space<hbm>> -> memref<128x128xf32, #tpu.memory_space<hbm>>
    %dma_wait3A_46 = arith.constant 0 : i32
    %dma_wait3A_47 = arith.constant 0 : i32
    %dma_wait3A_48 = tpu.memref_slice %arg6[%dma_wait3A_35, %dma_wait3A_46, %dma_wait3A_47] : memref<5x128x128xf32, #tpu.memory_space<vmem>> -> memref<1x128x128xf32, #tpu.memory_space<vmem>>
    %dma_wait3A_49 = tpu.memref_squeeze %dma_wait3A_48 : memref<1x128x128xf32, #tpu.memory_space<vmem>> -> memref<128x128xf32, #tpu.memory_space<vmem>>
    tpu.wait_dma2 semaphore(%arg8 : memref<!tpu.dma_semaphore, #tpu.memory_space<semaphore_mem>>) src(%dma_wait3A_49 : memref<128x128xf32, #tpu.memory_space<vmem>>) dst(%dma_wait3A_45 : memref<128x128xf32, #tpu.memory_space<hbm>>)
    %dma_wait3A_50 = arith.constant 3 : i32
    %dma_wait3A_51 = arith.constant 0 : i32
    %dma_wait3A_52 = arith.constant 0 : i32
    %dma_wait3A_53 = tpu.memref_slice %arg6[%dma_wait3A_50, %dma_wait3A_51, %dma_wait3A_52] : memref<5x128x128xf32, #tpu.memory_space<vmem>> -> memref<1x128x128xf32, #tpu.memory_space<vmem>>
    %dma_wait3A_54 = tpu.memref_squeeze %dma_wait3A_53 : memref<1x128x128xf32, #tpu.memory_space<vmem>> -> memref<128x128xf32, #tpu.memory_space<vmem>>
    %dma_wait3A_55 = arith.constant 0 : i32
    %dma_wait3A_56 = arith.constant 0 : i32
    %dma_wait3A_57 = tpu.memref_slice %arg4[%dma_wait3A_55, %dma_wait3A_56] : memref<204800x128xf32, #tpu.memory_space<hbm>> -> memref<128x128xf32, #tpu.memory_space<hbm>>
    %dma_wait3A_58 = arith.constant 0 : i32
    %dma_wait3A_59 = arith.constant 0 : i32
    %dma_wait3A_60 = tpu.memref_slice %arg4[%dma_wait3A_58, %dma_wait3A_59] : memref<204800x128xf32, #tpu.memory_space<hbm>> -> memref<128x128xf32, #tpu.memory_space<hbm>>
    %dma_wait3A_61 = arith.constant 0 : i32
    %dma_wait3A_62 = arith.constant 0 : i32
    %dma_wait3A_63 = tpu.memref_slice %arg6[%dma_wait3A_50, %dma_wait3A_61, %dma_wait3A_62] : memref<5x128x128xf32, #tpu.memory_space<vmem>> -> memref<1x128x128xf32, #tpu.memory_space<vmem>>
    %dma_wait3A_64 = tpu.memref_squeeze %dma_wait3A_63 : memref<1x128x128xf32, #tpu.memory_space<vmem>> -> memref<128x128xf32, #tpu.memory_space<vmem>>
    tpu.wait_dma2 semaphore(%arg8 : memref<!tpu.dma_semaphore, #tpu.memory_space<semaphore_mem>>) src(%dma_wait3A_64 : memref<128x128xf32, #tpu.memory_space<vmem>>) dst(%dma_wait3A_60 : memref<128x128xf32, #tpu.memory_space<hbm>>)
    %dma_wait3A_65 = arith.constant 4 : i32
    %dma_wait3A_66 = arith.constant 0 : i32
    %dma_wait3A_67 = arith.constant 0 : i32
    %dma_wait3A_68 = tpu.memref_slice %arg6[%dma_wait3A_65, %dma_wait3A_66, %dma_wait3A_67] : memref<5x128x128xf32, #tpu.memory_space<vmem>> -> memref<1x128x128xf32, #tpu.memory_space<vmem>>
    %dma_wait3A_69 = tpu.memref_squeeze %dma_wait3A_68 : memref<1x128x128xf32, #tpu.memory_space<vmem>> -> memref<128x128xf32, #tpu.memory_space<vmem>>
    %dma_wait3A_70 = arith.constant 0 : i32
    %dma_wait3A_71 = arith.constant 0 : i32
    %dma_wait3A_72 = tpu.memref_slice %arg4[%dma_wait3A_70, %dma_wait3A_71] : memref<204800x128xf32, #tpu.memory_space<hbm>> -> memref<128x128xf32, #tpu.memory_space<hbm>>
    %dma_wait3A_73 = arith.constant 0 : i32
    %dma_wait3A_74 = arith.constant 0 : i32
    %dma_wait3A_75 = tpu.memref_slice %arg4[%dma_wait3A_73, %dma_wait3A_74] : memref<204800x128xf32, #tpu.memory_space<hbm>> -> memref<128x128xf32, #tpu.memory_space<hbm>>
    %dma_wait3A_76 = arith.constant 0 : i32
    %dma_wait3A_77 = arith.constant 0 : i32
    %dma_wait3A_78 = tpu.memref_slice %arg6[%dma_wait3A_65, %dma_wait3A_76, %dma_wait3A_77] : memref<5x128x128xf32, #tpu.memory_space<vmem>> -> memref<1x128x128xf32, #tpu.memory_space<vmem>>
    %dma_wait3A_79 = tpu.memref_squeeze %dma_wait3A_78 : memref<1x128x128xf32, #tpu.memory_space<vmem>> -> memref<128x128xf32, #tpu.memory_space<vmem>>
    tpu.wait_dma2 semaphore(%arg8 : memref<!tpu.dma_semaphore, #tpu.memory_space<semaphore_mem>>) src(%dma_wait3A_79 : memref<128x128xf32, #tpu.memory_space<vmem>>) dst(%dma_wait3A_75 : memref<128x128xf32, #tpu.memory_space<hbm>>)
    return
  }
}

module attributes {stable_mosaic.version = 14 : i64} {
  func.func @_transform_body(%arg0: i32, %arg1: memref<10000x128xf32, #tpu.memory_space<vmem>>, %arg2: memref<128x128xf32, #tpu.memory_space<vmem>>, %arg3: memref<1x128xf32, #tpu.memory_space<vmem>>, %arg4: memref<10000x128xf32, #tpu.memory_space<vmem>>) attributes {dimension_semantics = [#tpu.dimension_semantics<arbitrary>], iteration_bounds = array<i64: 10>, scalar_prefetch = 0 : i64, scratch_operands = 0 : i64, tpu.core_type = #tpu.core_type<tc>, window_params = [{transform_indices = @transform_0, window_bounds = array<i64: 10000, 128>}, {pipeline_mode = #tpu.pipeline_mode<synchronous>, transform_indices = @transform_1, window_bounds = array<i64: 128, 128>}, {pipeline_mode = #tpu.pipeline_mode<synchronous>, transform_indices = @transform_2, window_bounds = array<i64: 1, 128>}, {transform_indices = @transform_3, window_bounds = array<i64: 10000, 128>}]} {
    %get3A = arith.constant 0 : index
    %get3A_0 = arith.constant 0 : index
    %get3A_1 = vector.load %arg1[%get3A, %get3A_0] : memref<10000x128xf32, #tpu.memory_space<vmem>>, vector<10000x128xf32>
    %get3A_2 = arith.constant 0 : index
    %get3A_3 = arith.constant 0 : index
    %get3A_4 = vector.load %arg2[%get3A_2, %get3A_3] : memref<128x128xf32, #tpu.memory_space<vmem>>, vector<128x128xf32>
    %dot_general3A = arith.constant dense<0.000000e+00> : vector<10000x128xf32>
    %dot_general3A_5 = tpu.matmul %get3A_1, %get3A_4, %dot_general3A {dimension_numbers = #tpu.dot_dimension_numbers<[1], [1], [0], [0], [0, 0, 1, 0], [], []>, transpose_lhs_hint = false} : vector<10000x128xf32>, vector<128x128xf32>, vector<10000x128xf32> -> vector<10000x128xf32>
    %get3A_6 = arith.constant 0 : index
    %get3A_7 = arith.constant 0 : index
    %get3A_8 = vector.load %arg3[%get3A_6, %get3A_7] : memref<1x128xf32, #tpu.memory_space<vmem>>, vector<1x128xf32>
    %add3A = vector.broadcast %get3A_8 : vector<1x128xf32> to vector<10000x128xf32>
    %add3A_9 = arith.addf %dot_general3A_5, %add3A : vector<10000x128xf32>
    %swap3A = arith.constant 0 : index
    %swap3A_10 = arith.constant 0 : index
    %swap3A_11 = vector.load %arg4[%swap3A, %swap3A_10] : memref<10000x128xf32, #tpu.memory_space<vmem>>, vector<10000x128xf32>
    tpu.vector_store %arg4[%swap3A, %swap3A_10], %add3A_9 {strides = array<i32>} : memref<10000x128xf32, #tpu.memory_space<vmem>>, vector<10000x128xf32>,
    return
  }
  func.func @transform_0(%arg0: i32) -> (i32, i32) {
    %c0_i32 = arith.constant 0 : i32
    %c0_i32_0 = arith.constant 0 : i32
    return %arg0, %c0_i32 : i32, i32
  }
  func.func @transform_1(%arg0: i32) -> (i32, i32) {
    %c0_i32 = arith.constant 0 : i32
    %c0_i32_0 = arith.constant 0 : i32
    %c0_i32_1 = arith.constant 0 : i32
    return %c0_i32, %c0_i32_0 : i32, i32
  }
  func.func @transform_2(%arg0: i32) -> (i32, i32) {
    %c0_i32 = arith.constant 0 : i32
    %c0_i32_0 = arith.constant 0 : i32
    %c0_i32_1 = arith.constant 0 : i32
    return %c0_i32, %c0_i32_0 : i32, i32
  }
  func.func @transform_3(%arg0: i32) -> (i32, i32) {
    %c0_i32 = arith.constant 0 : i32
    %c0_i32_0 = arith.constant 0 : i32
    return %arg0, %c0_i32 : i32, i32
  }
}

module attributes {stable_mosaic.version = 14 : i64} {
  func.func @_time_body(%arg0: i32, %arg1: memref<1x1x4096xi32, #tpu.memory_space<vmem>>, %arg2: memref<24x32xf32, #tpu.memory_space<vmem>>, %arg3: memref<1x32x4096xf32, #tpu.memory_space<vmem>>) attributes {dimension_semantics = [#tpu.dimension_semantics<arbitrary>], iteration_bounds = array<i64: 50>, scalar_prefetch = 0 : i64, scratch_operands = 0 : i64, tpu.core_type = #tpu.core_type<tc>, window_params = [{transform_indices = @transform_0, window_bounds = array<i64: 1, 1, 4096>}, {pipeline_mode = #tpu.pipeline_mode<synchronous>, transform_indices = @transform_1, window_bounds = array<i64: 24, 32>}, {transform_indices = @transform_2, window_bounds = array<i64: 1, 32, 4096>}]} {
    %get3A = arith.constant 0 : index
    %get3A_0 = arith.constant 0 : index
    %get3A_1 = arith.constant 0 : index
    %get3A_2 = vector.load %arg1[%get3A, %get3A_0, %get3A_1] : memref<1x1x4096xi32, #tpu.memory_space<vmem>>, vector<1x1x4096xi32>
    %get3A_3 = vector.shape_cast %get3A_2 : vector<1x1x4096xi32> to vector<1x4096xi32>
    %iota3A = tpu.iota {dimensions = array<i32: 0>} : vector<24x4096xi32>
    %broadcast_in_dim3A = vector.shape_cast %get3A_3 : vector<1x4096xi32> to vector<1x4096xi32>
    %broadcast_in_dim3A_4 = vector.broadcast %broadcast_in_dim3A : vector<1x4096xi32> to vector<24x4096xi32>
    %eq3A = arith.cmpi eq, %broadcast_in_dim3A_4, %iota3A : vector<24x4096xi32>
    %convert_element_type3A = arith.extui %eq3A : vector<24x4096xi1> to vector<24x4096xi32>
    %convert_element_type3A_5 = arith.sitofp %convert_element_type3A : vector<24x4096xi32> to vector<24x4096xf32>
    %get3A_6 = arith.constant 0 : index
    %get3A_7 = arith.constant 0 : index
    %get3A_8 = vector.load %arg2[%get3A_6, %get3A_7] : memref<24x32xf32, #tpu.memory_space<vmem>>, vector<24x32xf32>
    %dot_general3A = arith.constant dense<0.000000e+00> : vector<32x4096xf32>
    %dot_general3A_9 = tpu.matmul %get3A_8, %convert_element_type3A_5, %dot_general3A {dimension_numbers = #tpu.dot_dimension_numbers<[0], [0], [1], [1], [0, 1, 1, 1], [], []>, transpose_lhs_hint = false} : vector<24x32xf32>, vector<24x4096xf32>, vector<32x4096xf32> -> vector<32x4096xf32>
    %swap3A = arith.constant 0 : index
    %swap3A_10 = arith.constant 0 : index
    %swap3A_11 = arith.constant 0 : index
    %swap3A_12 = vector.load %arg3[%swap3A, %swap3A_10, %swap3A_11] : memref<1x32x4096xf32, #tpu.memory_space<vmem>>, vector<1x32x4096xf32>
    %swap3A_13 = vector.shape_cast %swap3A_12 : vector<1x32x4096xf32> to vector<32x4096xf32>
    %swap3A_14 = vector.shape_cast %dot_general3A_9 : vector<32x4096xf32> to vector<1x32x4096xf32>
    tpu.vector_store %arg3[%swap3A, %swap3A_10, %swap3A_11], %swap3A_14 {strides = array<i32>} : memref<1x32x4096xf32, #tpu.memory_space<vmem>>, vector<1x32x4096xf32>,
    return
  }
  func.func @transform_0(%arg0: i32) -> (i32, i32, i32) {
    %c0_i32 = arith.constant 0 : i32
    %c0_i32_0 = arith.constant 0 : i32
    %c0_i32_1 = arith.constant 0 : i32
    return %arg0, %c0_i32, %c0_i32_0 : i32, i32, i32
  }
  func.func @transform_1(%arg0: i32) -> (i32, i32) {
    %c0_i32 = arith.constant 0 : i32
    %c0_i32_0 = arith.constant 0 : i32
    %c0_i32_1 = arith.constant 0 : i32
    return %c0_i32, %c0_i32_0 : i32, i32
  }
  func.func @transform_2(%arg0: i32) -> (i32, i32, i32) {
    %c0_i32 = arith.constant 0 : i32
    %c0_i32_0 = arith.constant 0 : i32
    %c0_i32_1 = arith.constant 0 : i32
    return %arg0, %c0_i32, %c0_i32_0 : i32, i32, i32
  }
}

</mosaic_0001>

<sc_bundles>
// kernel: kernel.5.cloned.1.call-start
scs
__scs_entry_jumppad:
0x0: {  	(pc) =	sbr.rel $0x88, $3  }
0x1: {  	(tag) =	ssettag $0x0;
	lr =	simm.s32 $0x1  }
0x2: {  	[smem:$0x3F9B] =	sst lr;
	_ =	strace $0xD0000000  }
0x3: {  	_ = 	snop  }
0x4: {  	_ = 	snop  }
0x5: {  	_ = 	snop  }
0x6: {  	_ = 	snop  }
0x7: {  	_ = 	snop  }
__scs_overlays_trampoline_lowered:
0x8: {  	[smem:$0x3FAA] =	sst s0  }
0x9: {  	[smem:$0x3FAB] =	sst s1  }
0xa: {  	[smem:$0x3FAC] =	sst s2  }
0xb: {  	[smem:$0x3FAD] =	sst s3  }
0xc: {  	[smem:$0x3FAE] =	sst s4  }
0xd: {  	[smem:$0x3FAF] =	sst s5  }
0xe: {  	[smem:$0x3FB0] =	sst s6  }
0xf: {  	[smem:$0x3FB1] =	sst s7  }
0x10: {  	[smem:$0x3FB2] =	sst s8  }
0x11: {  	[smem:$0x3FB3] =	sst s9;
	s0 =	simm.s32 @!p0 $0x0  }
0x12: {  	s1 =	sld [smem:$0x3F99];
	s0 =	simm.s32 @p0 $0x1  }
0x13: {  	[smem:$0x3FB4] =	sst s0;
	s0 =	simm.s32 @!p1 $0x0  }
0x14: {  	s2 =	sld [smem:$0x3F98];
	s0 =	simm.s32 @p1 $0x1  }
0x15: {  	[smem:$0x3FB5] =	sst s0;
	s0 =	simm.s32 @!p2 $0x0  }
0x16: {  	s3 =	sld [smem:$0x3FDB];
	s0 =	simm.s32 @p2 $0x1  }
0x17: {  	s4 =	simm.s32 $0x1BF5;
	[smem:$0x3FB7] =	sst s0  }
0x18: {  	s0 =	sld [smem:$0x3F9A];
	_ =	swait.ge [sflag:s4], $0x0  }
0x19: {  	s7 =	sld [smem:$0x3F9B]  }
0x1a: {  	s8 =	sadd.s32 $0xFFFFE003, lr  }
0x1b: {  	s9 =	sadd.s32 $0xFFFFFEF7, lr;
	s5 =	simm.s32 $0xFFFFFFFF;
	p2 =	slt.u32 s8, $0xFFFFF086  }
0x1c: {  	p1 =	slt.u32 s9, $0xF7A;
	s5 =	simm.s32 @!p2 $0x0  }
0x1d: {  	s5 =	simm.s32 @p1 $0x1;
	p0 =	seq.s32 s7, s2  }
0x1e: {  	s7 =	smul.u32 @!p0 $0xF7A, s2;
	p2 =	seq.s32 @!p0 s5, $0x0  }
0x1f: {  	s9 =	smul.u32 $0xF7A, s1;
	s8 =	simm.s32 @!p0 $0x1BF5;
	p2 =	por !p2, p0  }
0x20: {  	[sflag:s8] =	ssyncset.s32 @!p0 $0xFFFFF086;
	s6 =	sadd.s32 @!p0 s3, s7;
	s7 =	simm.s32 @!p0 $0x108  }
0x21: {  	s3 =	sadd.s32 s3, s9;
	s6 =	sadd.s32 @!p0 $0x88, s6;
	s7 =	simm.s32 @p2 $0x1082  }
0x22: {  	[simem:s7], [sflag:s8] =	dma.local @!p0 [hbm:s6], $0xF7A  }
0x23: {  	s9 =	sor.u32 $0xD0000000, s2;
	s6 =	simm.s32 $0x108;
	_ =	swait.ge @!p0 [sflag:s8], $0x0  }
0x24: {  	s3 =	sadd.s32 $0x88, s3;
	s6 =	simm.s32 @!p1 $0x1082;
	[sflag:s4] =	ssyncset.s32 $0xFFFFF086  }
0x25: {  	[simem:s6], [sflag:s4] =	dma.local [hbm:s3], $0xF7A  }
0x26: {  	[smem:$0x3F9B] =	sst s1;
	(tag) =	ssettag s2;
	_ =	strace s9  }
0x27: {  	s1 =	sld [smem:$0x3FAB]  }
0x28: {  	s2 =	sld [smem:$0x3FAC]  }
0x29: {  	s4 =	sld [smem:$0x3FAE]  }
0x2a: {  	p0 =	seq.s32 s5, $0x0;
	s5 =	sld [smem:$0x3FAF]  }
0x2b: {  	s6 =	sld [smem:$0x3FB0]  }
0x2c: {  	s7 =	sld [smem:$0x3FB1]  }
0x2d: {  	s3 =	simm.s32 $0x108;
	s8 =	sld [smem:$0x3FB2]  }
0x2e: {  	s3 =	simm.s32 @!p0 $0x1082;
	s9 =	sld [smem:$0x3FB3]  }
0x2f: {  	lr =	sadd.s32 s0, s3;
	s0 =	sld [smem:$0x3FAA]  }
0x30: {  	s3 =	sld [smem:$0x3FAD]  }
0x31: {  	[smem:$0x3FB6] =	sst s10  }
0x32: {  	s10 =	sld [smem:$0x3FB4];
	_ =	sdelay $0x3  }
0x33: {  	p0 =	seq.s32 s10, $0x1;
	s10 =	sld [smem:$0x3FB6];
	_ =	sdelay $0x3  }
0x34: {  	[smem:$0x3FB6] =	sst s10  }
0x35: {  	s10 =	sld [smem:$0x3FB5];
	_ =	sdelay $0x3  }
0x36: {  	p1 =	seq.s32 s10, $0x1;
	s10 =	sld [smem:$0x3FB6];
	_ =	sdelay $0x3  }
0x37: {  	[smem:$0x3FB6] =	sst s10  }
0x38: {  	s10 =	sld [smem:$0x3FB7]  }
0x39: {  	_ = 	snop;
	(pc) =	sbr.ind lr, $3  }
0x3a: {  	_ = 	snop  }
0x3b: {  	_ = 	snop  }
0x3c: {  	p2 =	seq.s32 s10, $0x1;
	s10 =	sld [smem:$0x3FB6]  }
0x3d: {  	_ =	shalt  }
0x3e: {  	_ =	shalt  }
0x3f: {  	_ =	shalt  }
0x40: {  	_ =	shalt  }
0x41: {  	_ =	shalt  }
0x42: {  	_ =	shalt  }
0x43: {  	_ =	shalt  }
0x44: {  	_ =	shalt  }
0x45: {  	_ =	shalt  }
0x46: {  	_ =	shalt  }
0x47: {  	_ =	shalt  }
0x48: {  	_ =	shalt  }
0x49: {  	_ =	shalt  }
0x4a: {  	_ =	shalt  }
0x4b: {  	_ =	shalt  }
0x4c: {  	_ =	shalt  }
0x4d: {  	_ =	shalt  }
0x4e: {  	_ =	shalt  }
0x4f: {  	_ =	shalt  }
0x50: {  	_ =	shalt  }
0x51: {  	_ =	shalt  }
0x52: {  	_ =	shalt  }
0x53: {  	_ =	shalt  }
0x54: {  	_ =	shalt  }
0x55: {  	_ =	shalt  }
0x56: {  	_ =	shalt  }
0x57: {  	_ =	shalt  }
0x58: {  	_ =	shalt  }
0x59: {  	_ =	shalt  }
0x5a: {  	_ =	shalt  }
0x5b: {  	_ =	shalt  }
0x5c: {  	_ =	shalt  }
0x5d: {  	_ =	shalt  }
0x5e: {  	_ =	shalt  }
0x5f: {  	_ =	shalt  }
0x60: {  	_ =	shalt  }
0x61: {  	_ =	shalt  }
0x62: {  	_ =	shalt  }
0x63: {  	_ =	shalt  }
0x64: {  	_ =	shalt  }
0x65: {  	_ =	shalt  }
0x66: {  	_ =	shalt  }
0x67: {  	_ =	shalt  }
0x68: {  	_ =	shalt  }
0x69: {  	_ =	shalt  }
0x6a: {  	_ =	shalt  }
0x6b: {  	_ =	shalt  }
0x6c: {  	_ =	shalt  }
0x6d: {  	_ =	shalt  }
0x6e: {  	_ =	shalt  }
0x6f: {  	_ =	shalt  }
0x70: {  	_ =	shalt  }
0x71: {  	_ =	shalt  }
0x72: {  	_ =	shalt  }
0x73: {  	_ =	shalt  }
0x74: {  	_ =	shalt  }
0x75: {  	_ =	shalt  }
0x76: {  	_ =	shalt  }
0x77: {  	_ =	shalt  }
0x78: {  	_ =	shalt  }
0x79: {  	_ =	shalt  }
0x7a: {  	_ =	shalt  }
0x7b: {  	_ =	shalt  }
0x7c: {  	_ =	shalt  }
0x7d: {  	_ =	shalt  }
0x7e: {  	_ =	shalt  }
0x7f: {  	_ =	shalt  }
0x80: {  	_ =	shalt  }
0x81: {  	_ =	shalt  }
0x82: {  	_ =	shalt  }
0x83: {  	_ =	shalt  }
0x84: {  	_ =	shalt  }
0x85: {  	_ =	shalt  }
0x86: {  	_ =	shalt  }
0x87: {  	_ =	shalt  }
.Lfunc_end0:
.L_simem_size_0:
called_computation_lowered:
.L_overlay_start_0:
0x88: {  	s2 =	sld [smem:$0x3FD9]  }
0x89: {  	s3 =	sld [smem:$0x3FFE];
	_ =	sdelay $0x1  }
0x8a: {  	s1 =	srdreg.scid  }
0x8b: {  	s0 =	sand.u32 $0x1, s1  }
0x8c: {  	s14 =	sshll.u32 s0, $0xA;
	s2 =	sadd.s32 s3, s2  }
0x8d: {  	s2 =	sadd.s32 s2, s14  }
0x8e: {  	[smem:$0x3FC2] =	sst s2  }
0x8f: {  	_ = 	snop  }
0x90: {  	s2 =	sld [smem:$0x3FD0];
	_ =	sdelay $0x2  }
0x91: {  	s15 =	simm.s32 $0xA;
	s4 =	simm.s32 $0x10  }
0x92: {  	[smem:s4], [sflag:s15] =	dma.local [hbm:s2], $0x1  }
0x93: {  	_ =	swait.eq [sflag:s15], $0x1  }
0x94: {  	[sflag:s15] =	ssyncset.done $0x0  }
0x95: {  	[sflag:s15] =	ssyncadd.s32 $0xFFFFFFFF  }
0x96: {  	s16 =	sld [smem:$0x10];
	(tm) =	ssettm $0x1  }
0x97: {  	s17 =	sld [smem:$0x3FFB];
	_ =	sdelay $0x3  }
0x98: {  	_ =	strace s17  }
0x99: {  	s3 =	sld [smem:$0x3FFC];
	_ =	sdelay $0x3  }
0x9a: {  	_ =	strace s3  }
0x9b: {  	s3 =	sld [smem:$0x3FFD];
	_ =	sdelay $0x3  }
0x9c: {  	_ =	strace s3  }
0x9d: {  	_ =	strace $0x8FFFFFFF  }
0x9e: {  	s18 =	sld [smem:$0x3FDB];
	_ =	sdelay $0x1  }
0x9f: {  	s19 =	simm.s32 $_scs_section_size  }
0xa0: {  	s5 =	simm.s32 $_size__tile_overlayer_lowered;
	s6 =	simm.s32 $_tile_overlayer_lowered  }
0xa1: {  	s22 =	simm.s32 $0x1BFF;
	s21 =	sshll.u32 s6, $0x1;
	s3 =	sadd.s32 s19, s18  }
0xa2: {  	s7 =	simm.s32 $0x0;
	s20 =	sshll.u32 s5, $0x1;
	s5 =	sadd.s32 s21, s3  }
0xa3: {  	[timem:s7], [sflag:s22] =	dma.local [hbm:s5], s20  }
0xa4: {  	_ =	swait.ge [sflag:s22], s20  }
0xa5: {  	s4 =	ssub.s32 $0x0, s20;
	[sflag:s22] =	ssyncset.done $0x0  }
0xa6: {  	[sflag:s22] =	ssyncadd.s32 s4;
	_ =	sdelay $0x1  }
0xa7: {  	s23 =	simm.s32 $0x1B8B  }
0xa8: {  	_ =	swait.ge [sflag:s23], $0x1  }
0xa9: {  	[sflag:s23] =	ssyncset.done $0x0  }
0xaa: {  	s25 =	simm.s32 $0x1B8E;
	s24 =	sld [smem:$0x3FFE];
	[sflag:s23] =	ssyncadd.s32 $0xFFFFFFFF  }
0xab: {  	s26 =	simm.s32 $execute0_lowered;
	[smem:$0x3FD2] =	sst s25  }
0xac: {  	s5 =	sshll.u32 s26, $0x1;
	_ =	strace $0x80000046;
	[dreg:$0x1] =	wrdreg $0xFFFFFFFF  }
0xad: {  	s28 =	simm.s32 $_size_execute0_lowered;
	s3 =	sadd.s32 s3, s5;
	[dreg:$0x0] =	wrdreg $0x0  }
0xae: {  	s5 =	sshll.u32 s28, $0x1;
	[dreg:$0x2] =	wrdreg s3  }
0xaf: {  	[dreg:$0x3] =	wrdreg s5  }
0xb0: {  	[dreg:$0x4] =	wrdreg $0xC0  }
0xb1: {  	_ =	task [dreg:s7], $0x5FFFF  }
0xb2: {  	[dreg:$0x1] =	wrdreg $0xFFFFFFFF  }
0xb3: {  	[dreg:$0x0] =	wrdreg $0x60  }
0xb4: {  	[dreg:$0x2] =	wrdreg s24  }
0xb5: {  	[dreg:$0x3] =	wrdreg s16  }
0xb6: {  	[dreg:$0x4] =	wrdreg $0x9  }
0xb7: {  	_ =	task.clear_ibuf [dreg:s7], $0x5FFFF;
	_ =	strace $0x90000046  }
0xb8: {  	s29 =	simm.s32 $0x9;
	_ =	strace $0x80000048  }
0xb9: {  	_ =	swait.ge [sflag:s29], $0x1  }
0xba: {  	[sflag:s29] =	ssyncadd.s32 $0xFFFFFFFF  }
0xbb: {  	_ =	strace $0x90000048  }
0xbc: {  	_ =	sfence  }
0xbd: {  	s30 =	sld [smem:$0x0];
	_ =	sdelay $0x2  }
0xbe: {  	s31 =	sshll.u32 s1, $0xD;
	s1 =	sshrl.u32 s1, $0x2  }
0xbf: {  	s3 =	sand.u32 $0x4000, s31;
	s1 =	sadd.s32 s1, s30  }
0xc0: {  	s0 =	sor.u32 s3, s0;
	s1 =	sshll.u32 s1, $0x11  }
0xc1: {  	s0 =	sor.u32 s1, s0  }
0xc2: {  	s0 =	sadd.s32 $0x8F2B, s0  }
0xc3: {  	[sflag:s0] =	ssyncadd.remote.s32 $0x1  }
0xc4: {  	_ =	sfence.sel $0xFFFF  }
0xc5: {  	[dreg:$0x0] =	wrdreg $0xFFFFFFFF;
	(pc) =	sbr.abs _section_cstart, $3  }
0xc6: {  	[dreg:$0x1] =	wrdreg $0xFFFFFFFF  }
0xc7: {  	_ =	task.clear_ibuf [dreg:s7], $0x2FFFF;
	_ =	strace $0x9FFFFFFF  }
0xc8: {  	(tm) =	ssettm $0x7FFFFFFF  }
0xc9: {  	_ =	shalt  }
tec
execute0_lowered:
.L_overlay_start_1:
0x0: {  	(tag) =	ssettag $0x1  }
0x1: {  	s5 =	rddreg [dreg:$0x0];
	s1 =	srdreg.scid  }
0x2: {  	s0 =	stileid.u32;
	s2 =	rddreg [dreg:$0x1];
	s3 =	simm.s32 $0x0  }
0x3: {  	s29 =	simm.s32 $0x80;
	s4 =	sand.u32 $0x1, s1;
	s1 =	rddreg [dreg:$0x2]  }
0x4: {  	s30 =	simm.s32 $0x1C00;
	s10 =	simm.s32 $0x5C00;
	[smem:$0x7FF] =	sst s3  }
0x5: {  	s11 =	simm.s32 $0x9C00;
	_ =	strace $0x80000047;
	[dreg:$0x3] =	wrdreg s29  }
0x6: {  	s31 =	simm.s32 $0xDC00;
	s6 =	sshll.u32 s0, $0x1;
	[dreg:$0x4] =	wrdreg s30  }
0x7: {  	s12 =	simm.s32 $0x0;
	s6 =	sor.u32 s4, s6;
	[dreg:$0x5] =	wrdreg s10  }
0x8: {  	s8 =	ssub.s32 $0x2, s4;
	s4 =	sadd.s32 $0x7C00, s5;
	[dreg:$0x6] =	wrdreg s11  }
0x9: {  	s10 =	simm.s32 $0x1;
	[dreg:$0x7] =	wrdreg s31;
	s7 =	smul.u32 $0x380, s6  }
0xa: {  	s11 =	simm.s32 $0x2;
	s9 =	sshrl.u32 s8, $0x1;
	s6 =	smul.u32 $0x1900, s6  }
0xb: {  	s28 =	ssub.s32 s8, s9;
	s8 =	simm.s32 $0x3;
	s5 =	sadd.s32 s7, s5  }
0xc: {  	s9 =	simm.s32 $0x11C00;
	s7 =	smax.u32 s28, $0x1;
	s5 =	sadd.s32 $0xC00, s5  }
.LBB2_1:
0xd: {  	[tilespmem:s3], [sflag:$0x3] =	stream.linear.gather [hbm4b:s5+s3], $0x1900, $0x38;
	[tilespmem:$0x15C00] =	vst v63  }
0xe: {  	_ =	swait.ge [sflag:s8], $0x1900  }
0xf: {  	p0 =	por $0x0, $0x0;
	[sflag:s8] =	ssyncset.done $0x0  }
0x10: {  	s13 =	simm.s32 @p0 $0x2;
	[sflag:s8] =	ssyncadd.s32 $0xFFFFE700  }
0x11: {  	_ =	swait.ge @p0 [sflag:s13], $0x4000  }
0x12: {  	[sflag:s13] =	ssyncset.done @p0 $0x0  }
0x13: {  	s14 =	simm.s32 @p0 $0x80;
	s15 =	simm.s32 @p0 $0x1C00;
	[sflag:s13] =	ssyncadd.s32 @p0 $0xFFFFC000  }
0x14: {  	[tilespmem:s15], [sflag:$0x1] =	stream.indirect.gather @p0 [hbm4b:s4+s14], $0x80, s3, s14, $0xb8;
	[tilespmem:$0x15C00] =	vst v63  }
0x15: {  	_ =	swait.ge @p0 [sflag:s13], $0x4000  }
0x16: {  	[sflag:s13] =	ssyncset.done @p0 $0x0  }
0x17: {  	s16 =	simm.s32 @p0 $0x5C00;
	s15 =	simm.s32 @p0 $0x80;
	[sflag:s13] =	ssyncadd.s32 @p0 $0xFFFFC000  }
0x18: {  	[tilespmem:s16], [sflag:$0x1] =	stream.indirect.gather @p0 [hbm4b:s4+s14], $0x80, s15, s14, $0xb8;
	[tilespmem:$0x15C00] =	vst v63  }
0x19: {  	_ =	swait.ge @p0 [sflag:s13], $0x4000  }
0x1a: {  	[sflag:s13] =	ssyncset.done @p0 $0x0  }
0x1b: {  	s15 =	simm.s32 @p0 $0x100;
	s16 =	simm.s32 @p0 $0x9C00;
	[sflag:s13] =	ssyncadd.s32 @p0 $0xFFFFC000  }
0x1c: {  	[tilespmem:s16], [sflag:$0x1] =	stream.indirect.gather @p0 [hbm4b:s4+s14], $0x80, s15, s14, $0xb8;
	[tilespmem:$0x15C00] =	vst v63  }
0x1d: {  	_ =	swait.ge @p0 [sflag:s13], $0x4000  }
0x1e: {  	[sflag:s13] =	ssyncset.done @p0 $0x0  }
0x1f: {  	s15 =	simm.s32 @p0 $0x180;
	s16 =	simm.s32 @p0 $0xDC00;
	[sflag:s13] =	ssyncadd.s32 @p0 $0xFFFFC000  }
0x20: {  	[tilespmem:s16], [sflag:$0x1] =	stream.indirect.gather @p0 [hbm4b:s4+s14], $0x80, s15, s14, $0xb8;
	[tilespmem:$0x15C00] =	vst v63  }
0x21: {  	_ =	swait.ge @p0 [sflag:s13], $0x4000  }
0x22: {  	s14 =	simm.s32 @!p0 $0x80;
	[sflag:s13] =	ssyncset.done @p0 $0x0  }
0x23: {  	s15 =	simm.s32 @!p0 $0x0;
	[sflag:s13] =	ssyncadd.s32 @p0 $0xFFFFC000;
	s13 =	simm.s32 @!p0 $0x1C00  }
0x24: {  	[tilespmem:s13], [sflag:$0x1] =	stream.indirect.gather @!p0 [hbm4b:s4+s14], $0x80, s15, s14, $0xb8;
	[tilespmem:$0x15C00] =	vst v63  }
0x25: {  	s13 =	simm.s32 @p0 $0x0  }
0x26: {  	s15 =	simm.s32 @!p0 $0x5C00;
	s13 =	simm.s32 @!p0 $0x0  }
0x27: {  	[tilespmem:s15], [sflag:$0x1] =	stream.indirect.gather @!p0 [hbm4b:s4+s14], $0x80, s14, s14, $0xb8;
	[tilespmem:$0x15C00] =	vst v63  }
0x28: {  	s16 =	simm.s32 @!p0 $0x9C00;
	s15 =	simm.s32 @!p0 $0x100;
	s23 =	sadd.s32 $0x200, s13  }
0x29: {  	[tilespmem:s16], [sflag:$0x1] =	stream.indirect.gather @!p0 [hbm4b:s4+s14], $0x80, s15, s14, $0xb8;
	[tilespmem:$0x15C00] =	vst v63  }
0x2a: {  	s13 =	sadd.s32 s6, s13;
	s15 =	simm.s32 @!p0 $0x180;
	s16 =	simm.s32 @!p0 $0xDC00  }
0x2b: {  	[tilespmem:s16], [sflag:$0x1] =	stream.indirect.gather @!p0 [hbm4b:s4+s14], $0x80, s15, s14, $0xb8;
	[tilespmem:$0x15C00] =	vst v63  }
0x2c: {  	s17 =	rddreg [dreg:$0x3];
	s13 =	sshll.u32 s13, $0x4  }
0x2d: {  	[tilespmem:s9], [sflag:$0x1] =	stream.indirect.gather [hbm4b:s4+s17], $0x80, s23, s17, $0xb8;
	[tilespmem:$0x15C00] =	vst v63  }
0x2e: {  	s13 =	sadd.s32 s2, s13;
	s16 =	simm.s32 @p0 $0x80;
	_ =	swait.ge [sflag:s10], $0x4000  }
0x2f: {  	s14 =	sadd.s32 s6, s23;
	s15 =	simm.s32 $0x680;
	[sflag:s10] =	ssyncset.done $0x0  }
0x30: {  	s16 =	simm.s32 @!p0 $0x80;
	s24 =	rddreg [dreg:$0x4];
	[sflag:s10] =	ssyncadd.s32 $0xFFFFC000  }
0x31: {  	[hbm4b:s13+s3] =	stream.linear.scatter [tilespmem:s24], [sflag:$0x2], $0x4000, $0x38;
	[tilespmem:$0x15C00] =	vst v63  }
0x32: {  	s25 =	sadd.s32 s6, s16;
	s16 =	simm.s32 @p0 $0x100;
	_ =	swait.ge [sflag:s10], $0x4000  }
0x33: {  	s16 =	simm.s32 @!p0 $0x100;
	s13 =	sshll.u32 s25, $0x4;
	[sflag:s10] =	ssyncset.done $0x0  }
0x34: {  	s13 =	sadd.s32 s2, s13;
	s26 =	rddreg [dreg:$0x5];
	[sflag:s10] =	ssyncadd.s32 $0xFFFFC000  }
0x35: {  	[hbm4b:s13+s3] =	stream.linear.scatter [tilespmem:s26], [sflag:$0x2], $0x4000, $0x38;
	[tilespmem:$0x15C00] =	vst v63  }
0x36: {  	s28 =	sadd.s32 s6, s16;
	s16 =	simm.s32 $0x180;
	_ =	swait.ge [sflag:s10], $0x4000  }
0x37: {  	s16 =	simm.s32 @!p0 $0x180;
	s13 =	sshll.u32 s28, $0x4;
	[sflag:s10] =	ssyncset.done $0x0  }
0x38: {  	s13 =	sadd.s32 s2, s13;
	s29 =	rddreg [dreg:$0x6];
	[sflag:s10] =	ssyncadd.s32 $0xFFFFC000  }
0x39: {  	[hbm4b:s13+s3] =	stream.linear.scatter [tilespmem:s29], [sflag:$0x2], $0x4000, $0x38;
	[tilespmem:$0x15C00] =	vst v63  }
0x3a: {  	s14 =	sshll.u32 s14, $0x4;
	s30 =	sadd.s32 s6, s16;
	_ =	swait.ge [sflag:s10], $0x4000  }
0x3b: {  	s17 =	sadd.s32 s2, s14;
	s13 =	sshll.u32 s30, $0x4;
	[sflag:s10] =	ssyncset.done $0x0  }
0x3c: {  	s13 =	sadd.s32 s2, s13;
	s31 =	rddreg [dreg:$0x7];
	[sflag:s10] =	ssyncadd.s32 $0xFFFFC000  }
0x3d: {  	[hbm4b:s13+s3] =	stream.linear.scatter [tilespmem:s31], [sflag:$0x2], $0x4000, $0x38;
	[tilespmem:$0x15C00] =	vst v63  }
0x3e: {  	s14 =	simm.s32 $0x280;
	p0 =	por $0x1, $0x1;
	s13 =	simm.s32 $0x400  }
.LBB2_2:
0x3f: {  	_ =	swait.ge [sflag:s10], $0x4000  }
0x40: {  	[sflag:s10] =	ssyncset.done $0x0  }
0x41: {  	s21 =	simm.s32 @p0 $0x2;
	[sflag:s10] =	ssyncadd.s32 $0xFFFFC000  }
0x42: {  	[hbm4b:s17+s3] =	stream.linear.scatter [tilespmem:s9], [sflag:$0x2], $0x4000, $0x38;
	[tilespmem:$0x15C00] =	vst v63  }
0x43: {  	_ =	swait.ge @p0 [sflag:s21], $0x4000  }
0x44: {  	[sflag:s21] =	ssyncset.done @p0 $0x0  }
0x45: {  	s22 =	simm.s32 @p0 $0x80;
	s20 =	simm.s32 @p0 $0x1C00;
	[sflag:s21] =	ssyncadd.s32 @p0 $0xFFFFC000  }
0x46: {  	[tilespmem:s20], [sflag:$0x1] =	stream.indirect.gather @p0 [hbm4b:s4+s22], $0x80, s14, s22, $0xb8;
	[tilespmem:$0x15C00] =	vst v63  }
0x47: {  	_ =	swait.ge @p0 [sflag:s21], $0x4000  }
0x48: {  	[sflag:s21] =	ssyncset.done @p0 $0x0  }
0x49: {  	s23 =	simm.s32 @p0 $0x5C00;
	s20 =	sadd.s32 @p0 $0x80, s14;
	[sflag:s21] =	ssyncadd.s32 @p0 $0xFFFFC000  }
0x4a: {  	[tilespmem:s23], [sflag:$0x1] =	stream.indirect.gather @p0 [hbm4b:s4+s22], $0x80, s20, s22, $0xb8;
	[tilespmem:$0x15C00] =	vst v63  }
0x4b: {  	_ =	swait.ge @p0 [sflag:s21], $0x4000  }
0x4c: {  	[sflag:s21] =	ssyncset.done @p0 $0x0  }
0x4d: {  	s24 =	simm.s32 @p0 $0x9C00;
	s23 =	sadd.s32 @p0 $0x100, s14;
	[sflag:s21] =	ssyncadd.s32 @p0 $0xFFFFC000  }
0x4e: {  	[tilespmem:s24], [sflag:$0x1] =	stream.indirect.gather @p0 [hbm4b:s4+s22], $0x80, s23, s22, $0xb8;
	[tilespmem:$0x15C00] =	vst v63  }
0x4f: {  	_ =	swait.ge @p0 [sflag:s21], $0x4000  }
0x50: {  	[sflag:s21] =	ssyncset.done @p0 $0x0  }
0x51: {  	s23 =	sadd.s32 @p0 $0x180, s14;
	s24 =	simm.s32 @p0 $0xDC00;
	[sflag:s21] =	ssyncadd.s32 @p0 $0xFFFFC000  }
0x52: {  	[tilespmem:s24], [sflag:$0x1] =	stream.indirect.gather @p0 [hbm4b:s4+s22], $0x80, s23, s22, $0xb8;
	[tilespmem:$0x15C00] =	vst v63  }
0x53: {  	s16 =	sadd.s32 @p0 $0xFFFFFE80, s13;
	_ =	swait.ge @p0 [sflag:s21], $0x4000  }
0x54: {  	s18 =	sadd.s32 @p0 $0xFFFFFF00, s13;
	s22 =	simm.s32 @!p0 $0x80;
	[sflag:s21] =	ssyncset.done @p0 $0x0  }
0x55: {  	s23 =	simm.s32 @!p0 $0x0;
	[sflag:s21] =	ssyncadd.s32 @p0 $0xFFFFC000;
	s21 =	simm.s32 @!p0 $0x1C00  }
0x56: {  	[tilespmem:s21], [sflag:$0x1] =	stream.indirect.gather @!p0 [hbm4b:s4+s22], $0x80, s23, s22, $0xb8;
	[tilespmem:$0x15C00] =	vst v63  }
0x57: {  	s16 =	simm.s32 @!p0 $0x0;
	s18 =	simm.s32 @!p0 $0x80;
	s21 =	simm.s32 @!p0 $0x5C00  }
0x58: {  	[tilespmem:s21], [sflag:$0x1] =	stream.indirect.gather @!p0 [hbm4b:s4+s22], $0x80, s22, s22, $0xb8;
	[tilespmem:$0x15C00] =	vst v63  }
0x59: {  	s19 =	sadd.s32 s6, s16;
	s23 =	simm.s32 @!p0 $0x9C00;
	s21 =	simm.s32 @!p0 $0x100  }
0x5a: {  	[tilespmem:s23], [sflag:$0x1] =	stream.indirect.gather @!p0 [hbm4b:s4+s22], $0x80, s21, s22, $0xb8;
	[tilespmem:$0x15C00] =	vst v63  }
0x5b: {  	s30 =	sadd.s32 s6, s18;
	s24 =	simm.s32 @!p0 $0x180;
	s21 =	simm.s32 @!p0 $0xDC00  }
0x5c: {  	[tilespmem:s21], [sflag:$0x1] =	stream.indirect.gather @!p0 [hbm4b:s4+s22], $0x80, s24, s22, $0xb8;
	[tilespmem:$0x15C00] =	vst v63  }
0x5d: {  	s18 =	sadd.s32 @p0 $0xFFFFFF80, s13;
	s16 =	sadd.s32 $0x200, s16;
	s25 =	rddreg [dreg:$0x3]  }
0x5e: {  	[tilespmem:s9], [sflag:$0x1] =	stream.indirect.gather [hbm4b:s4+s25], $0x80, s16, s25, $0xb8;
	[tilespmem:$0x15C00] =	vst v63  }
0x5f: {  	s13 =	simm.s32 @!p0 $0x180;
	s19 =	sshll.u32 s19, $0x4;
	_ =	swait.ge [sflag:s10], $0x4000  }
0x60: {  	s17 =	sshll.u32 s30, $0x4;
	s18 =	simm.s32 @!p0 $0x100;
	[sflag:s10] =	ssyncset.done $0x0  }
0x61: {  	s19 =	sadd.s32 s2, s19;
	s26 =	rddreg [dreg:$0x4];
	[sflag:s10] =	ssyncadd.s32 $0xFFFFC000  }
0x62: {  	[hbm4b:s19+s3] =	stream.linear.scatter [tilespmem:s26], [sflag:$0x2], $0x4000, $0x38;
	[tilespmem:$0x15C00] =	vst v63  }
0x63: {  	s13 =	sadd.s32 s6, s13;
	s18 =	sadd.s32 s6, s18;
	_ =	swait.ge [sflag:s10], $0x4000  }
0x64: {  	s17 =	sadd.s32 s2, s17;
	s31 =	sshll.u32 s18, $0x4;
	[sflag:s10] =	ssyncset.done $0x0  }
0x65: {  	s18 =	sshll.u32 s13, $0x4;
	s28 =	rddreg [dreg:$0x5];
	[sflag:s10] =	ssyncadd.s32 $0xFFFFC000  }
0x66: {  	[hbm4b:s17+s3] =	stream.linear.scatter [tilespmem:s28], [sflag:$0x2], $0x4000, $0x38;
	[tilespmem:$0x15C00] =	vst v63  }
0x67: {  	s13 =	smov.u32 s15;
	s15 =	sadd.s32 $0x280, s15;
	_ =	swait.ge [sflag:s10], $0x4000  }
0x68: {  	p1 =	sne.s32 s15, $0x1A80;
	[sflag:s10] =	ssyncset.done $0x0  }
0x69: {  	s30 =	sadd.s32 s2, s31;
	s29 =	rddreg [dreg:$0x6];
	[sflag:s10] =	ssyncadd.s32 $0xFFFFC000  }
0x6a: {  	[hbm4b:s30+s3] =	stream.linear.scatter [tilespmem:s29], [sflag:$0x2], $0x4000, $0x38;
	[tilespmem:$0x15C00] =	vst v63  }
.Ltmp0:
0x6b: {  	s18 =	sadd.s32 s2, s18;
	(pc) =	sbr.rel @p1 .LBB2_2-.Ltmp0, $4  }
0x6c: {  	s14 =	sadd.s32 $0x280, s14;
	s16 =	sadd.s32 s6, s16;
	_ =	swait.ge [sflag:s10], $0x4000  }
0x6d: {  	p0 =	sne.s32 s13, $0x180;
	s16 =	sshll.u32 s16, $0x4;
	[sflag:s10] =	ssyncset.done $0x0  }
0x6e: {  	s17 =	sadd.s32 s2, s16;
	s31 =	rddreg [dreg:$0x7];
	[sflag:s10] =	ssyncadd.s32 $0xFFFFC000  }
0x6f: {  	[hbm4b:s18+s3] =	stream.linear.scatter [tilespmem:s31], [sflag:$0x2], $0x4000, $0x38;
	[tilespmem:$0x15C00] =	vst v63  }
0x70: {  	_ =	swait.ge [sflag:s10], $0x4000  }
0x71: {  	[sflag:s10] =	ssyncset.done $0x0  }
0x72: {  	s15 =	simm.s32 @p0 $0x2;
	[sflag:s10] =	ssyncadd.s32 $0xFFFFC000  }
0x73: {  	[hbm4b:s17+s3] =	stream.linear.scatter [tilespmem:s9], [sflag:$0x2], $0x4000, $0x38;
	[tilespmem:$0x15C00] =	vst v63  }
0x74: {  	_ =	swait.ge @p0 [sflag:s15], $0x4000  }
0x75: {  	[sflag:s15] =	ssyncset.done @p0 $0x0  }
0x76: {  	s16 =	simm.s32 @p0 $0x80;
	s17 =	simm.s32 @p0 $0x1C00;
	[sflag:s15] =	ssyncadd.s32 @p0 $0xFFFFC000  }
0x77: {  	[tilespmem:s17], [sflag:$0x1] =	stream.indirect.gather @p0 [hbm4b:s4+s16], $0x80, s14, s16, $0xb8;
	[tilespmem:$0x15C00] =	vst v63  }
0x78: {  	_ =	swait.ge @p0 [sflag:s15], $0x4000  }
0x79: {  	[sflag:s15] =	ssyncset.done @p0 $0x0  }
0x7a: {  	s18 =	simm.s32 @p0 $0x5C00;
	s17 =	sadd.s32 @p0 $0x80, s14;
	[sflag:s15] =	ssyncadd.s32 @p0 $0xFFFFC000  }
0x7b: {  	[tilespmem:s18], [sflag:$0x1] =	stream.indirect.gather @p0 [hbm4b:s4+s16], $0x80, s17, s16, $0xb8;
	[tilespmem:$0x15C00] =	vst v63  }
0x7c: {  	_ =	swait.ge @p0 [sflag:s15], $0x4000  }
0x7d: {  	[sflag:s15] =	ssyncset.done @p0 $0x0  }
0x7e: {  	s17 =	sadd.s32 @p0 $0x100, s14;
	s18 =	simm.s32 @p0 $0x9C00;
	[sflag:s15] =	ssyncadd.s32 @p0 $0xFFFFC000  }
0x7f: {  	[tilespmem:s18], [sflag:$0x1] =	stream.indirect.gather @p0 [hbm4b:s4+s16], $0x80, s17, s16, $0xb8;
	[tilespmem:$0x15C00] =	vst v63  }
0x80: {  	_ =	swait.ge @p0 [sflag:s15], $0x4000  }
0x81: {  	[sflag:s15] =	ssyncset.done @p0 $0x0  }
0x82: {  	s14 =	sadd.s32 @p0 $0x180, s14;
	s17 =	simm.s32 @p0 $0xDC00;
	[sflag:s15] =	ssyncadd.s32 @p0 $0xFFFFC000  }
0x83: {  	[tilespmem:s17], [sflag:$0x1] =	stream.indirect.gather @p0 [hbm4b:s4+s16], $0x80, s14, s16, $0xb8;
	[tilespmem:$0x15C00] =	vst v63  }
0x84: {  	_ =	swait.ge @p0 [sflag:s15], $0x4000  }
0x85: {  	s14 =	simm.s32 @!p0 $0x80;
	[sflag:s15] =	ssyncset.done @p0 $0x0  }
0x86: {  	s16 =	simm.s32 @!p0 $0x0;
	[sflag:s15] =	ssyncadd.s32 @p0 $0xFFFFC000;
	s15 =	simm.s32 @!p0 $0x1C00  }
0x87: {  	[tilespmem:s15], [sflag:$0x1] =	stream.indirect.gather @!p0 [hbm4b:s4+s14], $0x80, s16, s14, $0xb8;
	[tilespmem:$0x15C00] =	vst v63  }
0x88: {  	s16 =	simm.s32 @!p0 $0x5C00  }
0x89: {  	[tilespmem:s16], [sflag:$0x1] =	stream.indirect.gather @!p0 [hbm4b:s4+s14], $0x80, s14, s14, $0xb8;
	[tilespmem:$0x15C00] =	vst v63  }
0x8a: {  	s17 =	simm.s32 @!p0 $0x9C00;
	s15 =	sadd.s32 @p0 $0xFFFFFE80, s13;
	s16 =	simm.s32 @!p0 $0x100  }
0x8b: {  	[tilespmem:s17], [sflag:$0x1] =	stream.indirect.gather @!p0 [hbm4b:s4+s14], $0x80, s16, s14, $0xb8;
	[tilespmem:$0x15C00] =	vst v63  }
0x8c: {  	s15 =	simm.s32 @!p0 $0x0;
	s16 =	simm.s32 @!p0 $0x180;
	s17 =	simm.s32 @!p0 $0xDC00  }
0x8d: {  	[tilespmem:s17], [sflag:$0x1] =	stream.indirect.gather @!p0 [hbm4b:s4+s14], $0x80, s16, s14, $0xb8;
	[tilespmem:$0x15C00] =	vst v63  }
0x8e: {  	s22 =	rddreg [dreg:$0x3];
	s23 =	sadd.s32 $0x200, s15;
	s15 =	sadd.s32 s6, s15  }
0x8f: {  	[tilespmem:s9], [sflag:$0x1] =	stream.indirect.gather [hbm4b:s4+s22], $0x80, s23, s22, $0xb8;
	[tilespmem:$0x15C00] =	vst v63  }
0x90: {  	s15 =	sshll.u32 s15, $0x4;
	_ =	swait.ge [sflag:s10], $0x4000  }
0x91: {  	s15 =	sadd.s32 s2, s15;
	s17 =	sadd.s32 @p0 $0xFFFFFF00, s13;
	[sflag:s10] =	ssyncset.done $0x0  }
0x92: {  	s17 =	simm.s32 @!p0 $0x80;
	s24 =	rddreg [dreg:$0x4];
	[sflag:s10] =	ssyncadd.s32 $0xFFFFC000  }
0x93: {  	[hbm4b:s15+s3] =	stream.linear.scatter [tilespmem:s24], [sflag:$0x2], $0x4000, $0x38;
	[tilespmem:$0x15C00] =	vst v63  }
0x94: {  	s25 =	sadd.s32 s6, s17;
	s17 =	sadd.s32 @p0 $0xFFFFFF80, s13;
	_ =	swait.ge [sflag:s10], $0x4000  }
0x95: {  	s17 =	simm.s32 @!p0 $0x100;
	s15 =	sshll.u32 s25, $0x4;
	[sflag:s10] =	ssyncset.done $0x0  }
0x96: {  	s15 =	sadd.s32 s2, s15;
	s26 =	rddreg [dreg:$0x5];
	[sflag:s10] =	ssyncadd.s32 $0xFFFFC000  }
0x97: {  	[hbm4b:s15+s3] =	stream.linear.scatter [tilespmem:s26], [sflag:$0x2], $0x4000, $0x38;
	[tilespmem:$0x15C00] =	vst v63  }
0x98: {  	s28 =	sadd.s32 s6, s17;
	_ =	swait.ge [sflag:s10], $0x4000  }
0x99: {  	s13 =	simm.s32 @!p0 $0x180;
	s15 =	sshll.u32 s28, $0x4;
	[sflag:s10] =	ssyncset.done $0x0  }
0x9a: {  	s15 =	sadd.s32 s2, s15;
	s29 =	rddreg [dreg:$0x6];
	[sflag:s10] =	ssyncadd.s32 $0xFFFFC000  }
0x9b: {  	[hbm4b:s15+s3] =	stream.linear.scatter [tilespmem:s29], [sflag:$0x2], $0x4000, $0x38;
	[tilespmem:$0x15C00] =	vst v63  }
0x9c: {  	s13 =	sadd.s32 s6, s13;
	_ =	swait.ge [sflag:s10], $0x4000  }
0x9d: {  	s13 =	sshll.u32 s13, $0x4;
	[sflag:s10] =	ssyncset.done $0x0  }
0x9e: {  	s13 =	sadd.s32 s2, s13;
	s30 =	rddreg [dreg:$0x7];
	[sflag:s10] =	ssyncadd.s32 $0xFFFFC000  }
0x9f: {  	[hbm4b:s13+s3] =	stream.linear.scatter [tilespmem:s30], [sflag:$0x2], $0x4000, $0x38;
	[tilespmem:$0x15C00] =	vst v63  }
0xa0: {  	s31 =	sadd.s32 s6, s23;
	_ =	swait.ge [sflag:s10], $0x4000  }
0xa1: {  	s13 =	sshll.u32 s31, $0x4;
	[sflag:s10] =	ssyncset.done $0x0  }
0xa2: {  	s13 =	sadd.s32 s2, s13;
	[sflag:s10] =	ssyncadd.s32 $0xFFFFC000  }
0xa3: {  	[hbm4b:s13+s3] =	stream.linear.scatter [tilespmem:s9], [sflag:$0x2], $0x4000, $0x38;
	[tilespmem:$0x15C00] =	vst v63  }
0xa4: {  	_ =	swait.ge [sflag:s11], $0x4000  }
0xa5: {  	[sflag:s11] =	ssyncset.done $0x0  }
0xa6: {  	[sflag:s11] =	ssyncadd.s32 $0xFFFFC000  }
0xa7: {  	_ =	swait.ge [sflag:s11], $0x4000  }
0xa8: {  	[sflag:s11] =	ssyncset.done $0x0  }
0xa9: {  	[sflag:s11] =	ssyncadd.s32 $0xFFFFC000  }
0xaa: {  	_ =	swait.ge [sflag:s11], $0x4000  }
0xab: {  	[sflag:s11] =	ssyncset.done $0x0  }
0xac: {  	s12 =	sadd.s32 $0x1, s12;
	[sflag:s11] =	ssyncadd.s32 $0xFFFFC000  }
0xad: {  	p0 =	sne.s32 s12, s7;
	_ =	swait.ge [sflag:s11], $0x4000  }
.Ltmp1:
0xae: {  	[sflag:s11] =	ssyncset.done $0x0;
	(pc) =	sbr.rel @p0 .LBB2_1-.Ltmp1, $4  }
0xaf: {  	[sflag:s11] =	ssyncadd.s32 $0xFFFFC000  }
0xb0: {  	_ =	swait.ge [sflag:s11], $0x4000  }
0xb1: {  	[sflag:s11] =	ssyncset.done $0x0  }
0xb2: {  	[sflag:s11] =	ssyncadd.s32 $0xFFFFC000  }
0xb3: {  	_ =	sfence.sel $0x180000  }
0xb4: {  	[bflag:$0x0] =	sbarrier.arrive $0xFFFF  }
0xb5: {  	p0 =	sne.s32 s0, $0x0;
	_ =	strace $0x90000047  }
0xb6: {  	s0 =	sadd.s32 @!p0 $0x100000, s1;
	[bflag:$0x2] =	sbarrier.arrive $0xFFFF  }
0xb7: {  	[sflag:s0] =	ssyncadd.tile.s32 @!p0 $0x1;
	_ =	shalt  }
.Lfunc_end2:
_tile_overlayer_lowered:
.L_overlay_start_2:
0xb8: {  	(tag) =	ssettag $0x2  }
0xb9: {  	s0 =	rddreg [dreg:$0x0];
	s2 =	stileid.u32  }
0xba: {  	s1 =	rddreg [dreg:$0x1];
	p0 =	sne.s32 s2, $0x0  }
0xbb: {  	s3 =	rddreg [dreg:$0x2];
	[bflag:$0x3] =	sbarrier.arrive $0xFFFF;
	s2 =	simm.s32 @!p0 $0x1C03  }
0xbc: {  	[timem:s3], [sflag:s2] =	dma.local @!p0 [hbm:s0], s1  }
0xbd: {  	s0 =	simm.s32 @!p0 $0x3  }
0xbe: {  	_ =	swait.ge @!p0 [sflag:s0], s1  }
0xbf: {  	s1 =	ssub.s32 @!p0 $0x0, s1;
	[sflag:s0] =	ssyncset.done @!p0 $0x0  }
0xc0: {  	[sflag:s0] =	ssyncadd.s32 @!p0 s1  }
0xc1: {  	[bflag:$0x3] =	sbarrier.arrive $0xFFFF  }
0xc2: {  	_ =	shalt  }

</sc_bundles>
